<compile_context>
chip_gen: v7x
topology: tpu7x:2x2x1
jax: 0.10.2.dev20260603
libtpu: 0.0.44.dev20260713+nightly
codegen_flags: <defaults>
</compile_context>

<pallas_src>
import functools

import jax
import jax.numpy as jnp
from jax import lax
from jax.experimental import pallas as pl
from jax.experimental.pallas import tpu as pltpu
from jax.experimental.pallas import tpu_sc as plsc

_T, _D, _E, _K, _I = 2048, 1024, 8, 2, 512
_SI = 512
_BLK = 128
_NPAD = _T * _K + _E * _BLK
_NBLK = _NPAD // _BLK
_TB = 256
_GC = 32
_NW = 32


def _pack_bf16(v):
    m = v.shape[1] // 2
    r = v.astype(jnp.bfloat16).astype(jnp.float32)
    bits = jax.lax.bitcast_convert_type(r, jnp.int32)
    lo = jax.lax.shift_right_logical(bits[:, :m], 16)
    hi = jnp.bitwise_and(bits[:, m:], jnp.int32(-65536))
    return jnp.bitwise_or(hi, lo)


def _unpack_bf16(v):
    lo = jax.lax.bitcast_convert_type(
        jax.lax.shift_left(v, 16), jnp.float32)
    hi = jax.lax.bitcast_convert_type(
        jnp.bitwise_and(v, jnp.int32(-65536)), jnp.float32)
    return jnp.concatenate([lo, hi], axis=1)


def _routing_kernel(x_ref, gw_ref, i0_ref, i1_ref, w0_ref, w1_ref,
                    r0_ref, r1_ref, cnt_ref, xp_ref, cacc_ref):
    @pl.when(pl.program_id(0) == 0)
    def _():
        cacc_ref[...] = jnp.zeros_like(cacc_ref)

    xp_ref[...] = _pack_bf16(x_ref[...])
    l = jnp.dot(x_ref[...], gw_ref[...], preferred_element_type=jnp.float32)
    lane = jax.lax.broadcasted_iota(jnp.int32, l.shape, 1)
    neg = jnp.float32(-1e30)
    l = jnp.where(lane < _E, l, neg)
    m0 = jnp.max(l, axis=1, keepdims=True)
    i0 = jnp.min(jnp.where(l == m0, lane, _E), axis=1, keepdims=True)
    l1 = jnp.where(lane == i0, neg, l)
    m1 = jnp.max(l1, axis=1, keepdims=True)
    i1 = jnp.min(jnp.where(l1 == m1, lane, _E), axis=1, keepdims=True)
    e1 = jnp.exp(m1 - m0)
    s = 1.0 + e1

    oh0 = (lane == i0).astype(jnp.int32)
    oh1 = (lane == i1).astype(jnp.int32)
    row = jax.lax.broadcasted_iota(jnp.int32, (_TB, _TB), 0)
    col = jax.lax.broadcasted_iota(jnp.int32, (_TB, _TB), 1)
    tri = (row >= col).astype(jnp.float32)
    c0 = jnp.dot(tri, oh0.astype(jnp.float32),
                 preferred_element_type=jnp.float32).astype(jnp.int32)
    c1 = jnp.dot(tri, oh1.astype(jnp.float32),
                 preferred_element_type=jnp.float32).astype(jnp.int32)
    tot0 = c0[-1:, :]
    tot1 = c1[-1:, :]
    cnt = cacc_ref[...]
    rank0 = jnp.sum(jnp.where(oh0 > 0, cnt + c0 - 1, 0), axis=1,
                    keepdims=True)
    rank1 = jnp.sum(jnp.where(oh1 > 0, cnt + tot0 + c1 - 1, 0), axis=1,
                    keepdims=True)
    newcnt = cnt + tot0 + tot1
    cacc_ref[...] = newcnt
    cnt_ref[...] = newcnt

    i0_ref[...] = jnp.broadcast_to(i0, i0_ref.shape)
    i1_ref[...] = jnp.broadcast_to(i1, i1_ref.shape)
    w0_ref[...] = jnp.broadcast_to(1.0 / s, w0_ref.shape)
    w1_ref[...] = jnp.broadcast_to(e1 / s, w1_ref.shape)
    r0_ref[...] = jnp.broadcast_to(rank0, r0_ref.shape)
    r1_ref[...] = jnp.broadcast_to(rank1, r1_ref.shape)


def _moe_mlp_kernel(bexp_ref, xs_ref, wgu_ref, wd_ref, y_ref,
                    bgu_ref, bd_ref):
    i = pl.program_id(0)
    changed = jnp.logical_or(
        i == 0, bexp_ref[i] != bexp_ref[jnp.maximum(i - 1, 0)])

    @pl.when(changed)
    def _():
        bgu_ref[...] = wgu_ref[0].astype(jnp.bfloat16)
        bd_ref[...] = wd_ref[0].astype(jnp.bfloat16)

    xb = _unpack_bf16(xs_ref[...]).astype(jnp.bfloat16)
    gu = jnp.dot(xb, bgu_ref[...], preferred_element_type=jnp.float32)
    g = gu[:, :_I]
    u = gu[:, _I:]
    a = (g * jax.nn.sigmoid(g) * u).astype(jnp.bfloat16)
    y_ref[...] = _pack_bf16(
        jnp.dot(a, bd_ref[...], preferred_element_type=jnp.float32))


def _shared_mlp_kernel(x_ref, wgu_ref, wd_ref, o_ref, bgu_ref, bd_ref):
    @pl.when(pl.program_id(0) == 0)
    def _():
        bgu_ref[...] = wgu_ref[...].astype(jnp.bfloat16)
        bd_ref[...] = wd_ref[...].astype(jnp.bfloat16)

    xb = x_ref[...].astype(jnp.bfloat16)
    gu = jnp.dot(xb, bgu_ref[...], preferred_element_type=jnp.float32)
    g = gu[:, :_SI]
    u = gu[:, _SI:]
    a = (g * jax.nn.sigmoid(g) * u).astype(jnp.bfloat16)
    o_ref[...] = jnp.dot(a, bd_ref[...], preferred_element_type=jnp.float32)


def _combine_kernel(g_ref, sh_ref, w0_ref, w1_ref, o_ref):
    o_ref[...] = (w0_ref[:, 0:1] * _unpack_bf16(g_ref[0])
                  + w1_ref[:, 0:1] * _unpack_bf16(g_ref[1])
                  + sh_ref[...])


def _sc_dispatch(x, r0, r1):
    per = _T // _NW
    d = x.shape[1]
    i0_3 = r0.reshape(_NW, 1, per)
    i1_3 = r1.reshape(_NW, 1, per)
    mesh = plsc.VectorSubcoreMesh(core_axis_name="c", subcore_axis_name="s")

    @functools.partial(
        pl.kernel, mesh=mesh,
        out_type=jax.ShapeDtypeStruct((_NPAD, d), x.dtype),
        scratch_types=[pltpu.VMEM((1, per), jnp.int32),
                       pltpu.VMEM((1, per), jnp.int32),
                       pltpu.VMEM((per, d), x.dtype),
                       pltpu.SemaphoreType.DMA,
                       pltpu.SemaphoreType.DMA])
    def k(x_hbm, i0_hbm, i1_hbm, o_hbm, idx0_v, idx1_v, buf, s0, s1):
        wid = lax.axis_index("s") * 2 + lax.axis_index("c")
        pltpu.sync_copy(i0_hbm.at[wid], idx0_v)
        pltpu.sync_copy(i1_hbm.at[wid], idx1_v)
        pltpu.sync_copy(x_hbm.at[pl.ds(wid * per, per)], buf)
        c0 = pltpu.async_copy(buf, o_hbm.at[idx0_v.at[0]], s0)
        c1 = pltpu.async_copy(buf, o_hbm.at[idx1_v.at[0]], s1)
        c0.wait()
        c1.wait()

    return k(x, i0_3, i1_3)


def _sc_gather(data, idx, n, d):
    per = n // _NW
    nch = per // _GC
    idx3 = idx.reshape(_NW, nch, _GC)
    mesh = plsc.VectorSubcoreMesh(core_axis_name="c", subcore_axis_name="s")

    @functools.partial(
        pl.kernel, mesh=mesh,
        out_type=jax.ShapeDtypeStruct((n, d), data.dtype),
        scratch_types=[pltpu.VMEM((nch, _GC), jnp.int32),
                       pltpu.VMEM((_GC, d), data.dtype),
                       pltpu.VMEM((_GC, d), data.dtype),
                       pltpu.SemaphoreType.DMA,
                       pltpu.SemaphoreType.DMA,
                       pltpu.SemaphoreType.DMA,
                       pltpu.SemaphoreType.DMA])
    def k(x_hbm, i_hbm, o_hbm, idx_v, b0, b1, g0, g1, o0, o1):
        bufs = (b0, b1)
        gsem = (g0, g1)
        osem = (o0, o1)
        wid = lax.axis_index("s") * 2 + lax.axis_index("c")
        pltpu.sync_copy(i_hbm.at[wid], idx_v)
        base = wid * (nch * _GC)
        g = [None] * nch
        o = [None] * nch
        g[0] = pltpu.async_copy(x_hbm.at[idx_v.at[0]], bufs[0], gsem[0])
        for j in range(nch):
            nx = j + 1
            if nx < nch:
                if nx >= 2:
                    o[nx - 2].wait()
                g[nx] = pltpu.async_copy(
                    x_hbm.at[idx_v.at[nx]], bufs[nx % 2], gsem[nx % 2])
            g[j].wait()
            o[j] = pltpu.async_copy(
                bufs[j % 2], o_hbm.at[pl.ds(base + j * _GC, _GC)],
                osem[j % 2])
        if nch >= 2:
            o[nch - 2].wait()
        o[nch - 1].wait()

    return k(data, idx3)


def kernel(hidden_states, gate_w, w_gate_up, w_down, sh_gate_up, sh_down):
    x = hidden_states.reshape(_T, _D)
    gwp = jnp.pad(gate_w, ((0, 0), (0, 128 - _E)))

    i0b, i1b, w0b, w1b, r0b, r1b, cntb, xp = pl.pallas_call(
        _routing_kernel,
        grid=(_T // _TB,),
        in_specs=[pl.BlockSpec((_TB, _D), lambda i: (i, 0)),
                  pl.BlockSpec((_D, 128), lambda i: (0, 0))],
        out_specs=[pl.BlockSpec((_TB, 128), lambda i: (i, 0))] * 6
        + [pl.BlockSpec((1, 128), lambda i: (0, 0)),
           pl.BlockSpec((_TB, _D // 2), lambda i: (i, 0))],
        out_shape=[jax.ShapeDtypeStruct((_T, 128), jnp.int32),
                   jax.ShapeDtypeStruct((_T, 128), jnp.int32),
                   jax.ShapeDtypeStruct((_T, 128), jnp.float32),
                   jax.ShapeDtypeStruct((_T, 128), jnp.float32),
                   jax.ShapeDtypeStruct((_T, 128), jnp.int32),
                   jax.ShapeDtypeStruct((_T, 128), jnp.int32),
                   jax.ShapeDtypeStruct((1, 128), jnp.int32),
                   jax.ShapeDtypeStruct((_T, _D // 2), jnp.int32)],
        scratch_shapes=[pltpu.VMEM((1, 128), jnp.int32)],
    )(x, gwp)

    counts = cntb[0, :_E]
    padded = ((counts + _BLK - 1) // _BLK) * _BLK
    ends = jnp.cumsum(padded)
    offs = ends - padded
    eidx = jnp.arange(_E, dtype=jnp.int32)
    i0 = i0b[:, 0]
    i1 = i1b[:, 0]
    off0 = jnp.sum(jnp.where(i0[:, None] == eidx[None, :],
                             offs[None, :], 0), axis=1)
    off1 = jnp.sum(jnp.where(i1[:, None] == eidx[None, :],
                             offs[None, :], 0), axis=1)
    r0 = r0b[:, 0] + off0.astype(jnp.int32)
    r1 = r1b[:, 0] + off1.astype(jnp.int32)
    bstart = jnp.arange(_NBLK, dtype=jnp.int32)[:, None] * _BLK
    bexp = jnp.minimum(
        jnp.sum((ends[None, :] <= bstart).astype(jnp.int32), axis=1),
        _E - 1).astype(jnp.int32)

    xs = _sc_dispatch(xp, r0, r1)

    y = pl.pallas_call(
        _moe_mlp_kernel,
        grid_spec=pltpu.PrefetchScalarGridSpec(
            num_scalar_prefetch=1,
            grid=(_NBLK,),
            in_specs=[pl.BlockSpec((_BLK, _D // 2), lambda i, b: (i, 0)),
                      pl.BlockSpec((1, _D, 2 * _I), lambda i, b: (b[i], 0, 0)),
                      pl.BlockSpec((1, _I, _D), lambda i, b: (b[i], 0, 0))],
            out_specs=pl.BlockSpec((_BLK, _D // 2), lambda i, b: (i, 0)),
            scratch_shapes=[pltpu.VMEM((_D, 2 * _I), jnp.bfloat16),
                            pltpu.VMEM((_I, _D), jnp.bfloat16)],
        ),
        out_shape=jax.ShapeDtypeStruct((_NPAD, _D // 2), jnp.int32),
        compiler_params=pltpu.CompilerParams(
            dimension_semantics=("arbitrary",)),
    )(bexp, xs, w_gate_up, w_down)

    sh = pl.pallas_call(
        _shared_mlp_kernel,
        grid=(_T // _TB,),
        in_specs=[pl.BlockSpec((_TB, _D), lambda i: (i, 0)),
                  pl.BlockSpec((_D, 2 * _SI), lambda i: (0, 0)),
                  pl.BlockSpec((_SI, _D), lambda i: (0, 0))],
        out_specs=pl.BlockSpec((_TB, _D), lambda i: (i, 0)),
        out_shape=jax.ShapeDtypeStruct((_T, _D), jnp.float32),
        scratch_shapes=[pltpu.VMEM((_D, 2 * _SI), jnp.bfloat16),
                        pltpu.VMEM((_SI, _D), jnp.bfloat16)],
    )(x, sh_gate_up, sh_down)

    ridx = jnp.concatenate([r0, r1])
    g2 = _sc_gather(y, ridx, _K * _T, _D // 2).reshape(_K, _T, _D // 2)

    final = pl.pallas_call(
        _combine_kernel,
        grid=(_T // _TB,),
        in_specs=[pl.BlockSpec((_K, _TB, _D // 2), lambda i: (0, i, 0)),
                  pl.BlockSpec((_TB, _D), lambda i: (i, 0)),
                  pl.BlockSpec((_TB, 128), lambda i: (i, 0)),
                  pl.BlockSpec((_TB, 128), lambda i: (i, 0))],
        out_specs=pl.BlockSpec((_TB, _D), lambda i: (i, 0)),
        out_shape=jax.ShapeDtypeStruct((_T, _D), jnp.float32),
    )(g2, sh, w0b, w1b)
    return final.reshape(hidden_states.shape)

# --- scband reference (transcript-rebuilt; emitter-appended) ---
"""Pipeline reference for scband-bailing-mo-e-67748814127135 (READ-ONLY COPY).

The authoritative reference and input builder live on the scoring server;
editing this copy changes nothing except your own understanding.
"""

import jax, jax.numpy as jnp
import numpy as np

T = 2048
D = 1024
E = 8
K = 2
I = 512
SI = 512  # moe_intermediate_size * num_shared_experts (512 * 1)


def setup_inputs(seed: int = 0) -> dict:
    key = jax.random.key(seed)
    ks = jax.random.split(key, 6)
    hidden_states = jax.random.normal(ks[0], (T, D), dtype=jnp.float32)
    gate_w = jax.random.normal(ks[1], (D, E), dtype=jnp.float32) * 0.02
    w_gate_up = jax.random.normal(ks[2], (E, D, 2 * I), dtype=jnp.float32) * 0.02
    w_down = jax.random.normal(ks[3], (E, I, D), dtype=jnp.float32) * 0.02
    sh_gate_up = jax.random.normal(ks[4], (D, 2 * SI), dtype=jnp.float32) * 0.02
    sh_down = jax.random.normal(ks[5], (SI, D), dtype=jnp.float32) * 0.02
    return {
        "hidden_states": hidden_states,
        "gate_w": gate_w,
        "w_gate_up": w_gate_up,
        "w_down": w_down,
        "sh_gate_up": sh_gate_up,
        "sh_down": sh_down,
    }


def _silu_and_mul(gu):
    g, u = jnp.split(gu, 2, axis=-1)
    return jax.nn.silu(g) * u


def reference(hidden_states, gate_w, w_gate_up, w_down, sh_gate_up, sh_down):
    orig_shape = hidden_states.shape
    x = hidden_states.reshape(-1, D)
    t = x.shape[0]

    # shared experts (BailingMLP: gate_up_proj -> SiluAndMul -> down_proj)
    shared_out = _silu_and_mul(x @ sh_gate_up) @ sh_down

    # router gate (ReplicatedLinear, no bias)
    router_logits = x @ gate_w

    # TopK: softmax over experts, top-k, renormalize (norm_topk_prob=True)
    probs = jax.nn.softmax(router_logits, axis=-1)
    topk_w, topk_idx = jax.lax.top_k(probs, K)
    topk_w = topk_w / jnp.sum(topk_w, axis=-1, keepdims=True)

    # combine weights [T, E] with only top-k nonzero (scatter of routing weights)
    combine = jnp.zeros((t, E), dtype=x.dtype).at[
        jnp.arange(t)[:, None], topk_idx
    ].set(topk_w)

    # FusedMoE reference: compute every expert densely, weight & combine
    gu_e = jnp.einsum("td,edh->teh", x, w_gate_up)
    act_e = _silu_and_mul(gu_e)
    out_e = jnp.einsum("tei,eio->teo", act_e, w_down)
    moe_out = jnp.einsum("te,teo->to", combine, out_e)

    final = moe_out + shared_out
    return final.reshape(orig_shape)

if __name__ == "__main__":
    import jax
    _d = setup_inputs()
    print(jax.jit(kernel)(*tuple(_d.values())))

</pallas_src>

<mosaic_0001>
#map = affine_map<(d0, d1) -> (0, 0)>
#map1 = affine_map<(d0, d1) -> (0, 0, 0)>
module attributes {stable_mosaic.version = 14 : i64} {
  func.func @k(%arg0: i32, %arg1: i32, %arg2: memref<5120x512xi32, #tpu.memory_space<hbm>>, %arg3: memref<32x4x32xi32, #tpu.memory_space<hbm>>, %arg4: memref<4096x512xi32, #tpu.memory_space<hbm>>, %arg5: memref<4x32xi32, #tpu.memory_space<vmem>>, %arg6: memref<32x512xi32, #tpu.memory_space<vmem>>, %arg7: memref<32x512xi32, #tpu.memory_space<vmem>>, %arg8: memref<!tpu.dma_semaphore, #tpu.memory_space<semaphore_mem>>, %arg9: memref<!tpu.dma_semaphore, #tpu.memory_space<semaphore_mem>>, %arg10: memref<!tpu.dma_semaphore, #tpu.memory_space<semaphore_mem>>, %arg11: memref<!tpu.dma_semaphore, #tpu.memory_space<semaphore_mem>>) attributes {dimension_semantics = [#tpu.dimension_semantics<core_parallel>, #tpu.dimension_semantics<subcore_parallel>], iteration_bounds = array<i64: 2, 16>, scalar_prefetch = 0 : i64, scratch_operands = 7 : i64, tpu.core_type = #tpu.core_type<sc_vector_subcore>, window_params = [{transform_indices = #map}, {transform_indices = #map1}, {transform_indices = #map}]} {
    %mul3A = arith.constant 2 : i32
    %mul3A_0 = arith.muli %arg1, %mul3A : i32
    %add3A = arith.addi %mul3A_0, %arg0 : i32
    "tpu.region"() ({
      %run_scoped3A = tpu.sem_alloc : memref<!tpu.dma_semaphore, #tpu.memory_space<semaphore_mem>>
      %dma_start3A_97 = arith.constant 0 : i32
      %dma_start3A_98 = arith.constant 0 : i32
      %dma_start3A_99 = tpu.memref_slice %arg3[%add3A, %dma_start3A_97, %dma_start3A_98] : memref<32x4x32xi32, #tpu.memory_space<hbm>> -> memref<1x4x32xi32, #tpu.memory_space<hbm>>
      %dma_start3A_100 = tpu.memref_squeeze %dma_start3A_99 : memref<1x4x32xi32, #tpu.memory_space<hbm>> -> memref<4x32xi32, #tpu.memory_space<hbm>>
      %dma_start3A_101 = arith.constant 0 : i32
      %dma_start3A_102 = arith.constant 0 : i32
      %dma_start3A_103 = tpu.memref_slice %arg3[%add3A, %dma_start3A_101, %dma_start3A_102] : memref<32x4x32xi32, #tpu.memory_space<hbm>> -> memref<1x4x32xi32, #tpu.memory_space<hbm>>
      %dma_start3A_104 = tpu.memref_squeeze %dma_start3A_103 : memref<1x4x32xi32, #tpu.memory_space<hbm>> -> memref<4x32xi32, #tpu.memory_space<hbm>>
      tpu.enqueue_dma source(%dma_start3A_104 : memref<4x32xi32, #tpu.memory_space<hbm>>) target(%arg5 : memref<4x32xi32, #tpu.memory_space<vmem>>) target_semaphore(%run_scoped3A : memref<!tpu.dma_semaphore, #tpu.memory_space<semaphore_mem>>)
      %dma_wait3A_105 = arith.constant 0 : i32
      %dma_wait3A_106 = arith.constant 0 : i32
      %dma_wait3A_107 = tpu.memref_slice %arg3[%add3A, %dma_wait3A_105, %dma_wait3A_106] : memref<32x4x32xi32, #tpu.memory_space<hbm>> -> memref<1x4x32xi32, #tpu.memory_space<hbm>>
      %dma_wait3A_108 = tpu.memref_squeeze %dma_wait3A_107 : memref<1x4x32xi32, #tpu.memory_space<hbm>> -> memref<4x32xi32, #tpu.memory_space<hbm>>
      %dma_wait3A_109 = arith.constant 0 : i32
      %dma_wait3A_110 = arith.constant 0 : i32
      %dma_wait3A_111 = tpu.memref_slice %arg3[%add3A, %dma_wait3A_109, %dma_wait3A_110] : memref<32x4x32xi32, #tpu.memory_space<hbm>> -> memref<1x4x32xi32, #tpu.memory_space<hbm>>
      %dma_wait3A_112 = tpu.memref_squeeze %dma_wait3A_111 : memref<1x4x32xi32, #tpu.memory_space<hbm>> -> memref<4x32xi32, #tpu.memory_space<hbm>>
      tpu.wait_dma2 semaphore(%run_scoped3A : memref<!tpu.dma_semaphore, #tpu.memory_space<semaphore_mem>>) src(%dma_wait3A_112 : memref<4x32xi32, #tpu.memory_space<hbm>>) dst(%arg5 : memref<4x32xi32, #tpu.memory_space<vmem>>)
      tpu.yield
    }) : () -> ()
    %mul3A_1 = arith.constant 128 : i32
    %mul3A_2 = arith.muli %add3A, %mul3A_1 : i32
    %dma_start3A = arith.constant 0 : i32
    %dma_start3A_3 = arith.constant 0 : i32
    %dma_start3A_4 = tpu.memref_slice %arg5[%dma_start3A, %dma_start3A_3] : memref<4x32xi32, #tpu.memory_space<vmem>> -> memref<1x32xi32, #tpu.memory_space<vmem>>
    %dma_start3A_5 = tpu.memref_squeeze %dma_start3A_4 : memref<1x32xi32, #tpu.memory_space<vmem>> -> memref<32xi32, #tpu.memory_space<vmem>>
    %dma_start3A_6 = arith.constant 0 : i32
    %dma_start3A_7 = arith.constant 0 : i32
    %dma_start3A_8 = tpu.memref_slice %arg2[%dma_start3A_6, %dma_start3A_7] : memref<5120x512xi32, #tpu.memory_space<hbm>> -> memref<5120x512xi32, #tpu.memory_space<hbm>>
    tpu.enqueue_indirect_dma source(%dma_start3A_8 : memref<5120x512xi32, #tpu.memory_space<hbm>>) target(%arg6 : memref<32x512xi32, #tpu.memory_space<vmem>>) offsets(%dma_start3A_5 : memref<32xi32, #tpu.memory_space<vmem>>) semaphore(%arg8 : memref<!tpu.dma_semaphore, #tpu.memory_space<semaphore_mem>>)
    %dma_start3A_9 = arith.constant 1 : i32
    %dma_start3A_10 = arith.constant 0 : i32
    %dma_start3A_11 = tpu.memref_slice %arg5[%dma_start3A_9, %dma_start3A_10] : memref<4x32xi32, #tpu.memory_space<vmem>> -> memref<1x32xi32, #tpu.memory_space<vmem>>
    %dma_start3A_12 = tpu.memref_squeeze %dma_start3A_11 : memref<1x32xi32, #tpu.memory_space<vmem>> -> memref<32xi32, #tpu.memory_space<vmem>>
    %dma_start3A_13 = arith.constant 0 : i32
    %dma_start3A_14 = arith.constant 0 : i32
    %dma_start3A_15 = tpu.memref_slice %arg2[%dma_start3A_13, %dma_start3A_14] : memref<5120x512xi32, #tpu.memory_space<hbm>> -> memref<5120x512xi32, #tpu.memory_space<hbm>>
    tpu.enqueue_indirect_dma source(%dma_start3A_15 : memref<5120x512xi32, #tpu.memory_space<hbm>>) target(%arg7 : memref<32x512xi32, #tpu.memory_space<vmem>>) offsets(%dma_start3A_12 : memref<32xi32, #tpu.memory_space<vmem>>) semaphore(%arg9 : memref<!tpu.dma_semaphore, #tpu.memory_space<semaphore_mem>>)
    %dma_wait3A = arith.constant 0 : i32
    %dma_wait3A_16 = arith.constant 0 : i32
    %dma_wait3A_17 = tpu.memref_slice %arg5[%dma_wait3A, %dma_wait3A_16] : memref<4x32xi32, #tpu.memory_space<vmem>> -> memref<1x32xi32, #tpu.memory_space<vmem>>
    %dma_wait3A_18 = tpu.memref_squeeze %dma_wait3A_17 : memref<1x32xi32, #tpu.memory_space<vmem>> -> memref<32xi32, #tpu.memory_space<vmem>>
    %dma_wait3A_19 = arith.constant 0 : i32
    %dma_wait3A_20 = arith.constant 0 : i32
    %dma_wait3A_21 = tpu.memref_slice %arg2[%dma_wait3A_19, %dma_wait3A_20] : memref<5120x512xi32, #tpu.memory_space<hbm>> -> memref<5120x512xi32, #tpu.memory_space<hbm>>
    tpu.wait_indirect_dma semaphore(%arg8 : memref<!tpu.dma_semaphore, #tpu.memory_space<semaphore_mem>>) src(%dma_wait3A_21 : memref<5120x512xi32, #tpu.memory_space<hbm>>) dst(%arg6 : memref<32x512xi32, #tpu.memory_space<vmem>>)
    %add3A_22 = arith.constant 0 : i32
    %add3A_23 = arith.addi %mul3A_2, %add3A_22 : i32
    %dma_start3A_24 = arith.constant 0 : i32
    %dma_start3A_25 = tpu.memref_slice %arg4[%add3A_23, %dma_start3A_24] : memref<4096x512xi32, #tpu.memory_space<hbm>> -> memref<32x512xi32, #tpu.memory_space<hbm>>
    %dma_start3A_26 = arith.constant 0 : i32
    %dma_start3A_27 = tpu.memref_slice %arg4[%add3A_23, %dma_start3A_26] : memref<4096x512xi32, #tpu.memory_space<hbm>> -> memref<32x512xi32, #tpu.memory_space<hbm>>
    tpu.enqueue_dma source(%arg6 : memref<32x512xi32, #tpu.memory_space<vmem>>) target(%dma_start3A_27 : memref<32x512xi32, #tpu.memory_space<hbm>>) target_semaphore(%arg10 : memref<!tpu.dma_semaphore, #tpu.memory_space<semaphore_mem>>)
    %dma_wait3A_28 = arith.constant 0 : i32
    %dma_wait3A_29 = tpu.memref_slice %arg4[%add3A_23, %dma_wait3A_28] : memref<4096x512xi32, #tpu.memory_space<hbm>> -> memref<32x512xi32, #tpu.memory_space<hbm>>
    %dma_wait3A_30 = arith.constant 0 : i32
    %dma_wait3A_31 = tpu.memref_slice %arg4[%add3A_23, %dma_wait3A_30] : memref<4096x512xi32, #tpu.memory_space<hbm>> -> memref<32x512xi32, #tpu.memory_space<hbm>>
    tpu.wait_dma2 semaphore(%arg10 : memref<!tpu.dma_semaphore, #tpu.memory_space<semaphore_mem>>) src(%arg6 : memref<32x512xi32, #tpu.memory_space<vmem>>) dst(%dma_wait3A_31 : memref<32x512xi32, #tpu.memory_space<hbm>>)
    %dma_start3A_32 = arith.constant 2 : i32
    %dma_start3A_33 = arith.constant 0 : i32
    %dma_start3A_34 = tpu.memref_slice %arg5[%dma_start3A_32, %dma_start3A_33] : memref<4x32xi32, #tpu.memory_space<vmem>> -> memref<1x32xi32, #tpu.memory_space<vmem>>
    %dma_start3A_35 = tpu.memref_squeeze %dma_start3A_34 : memref<1x32xi32, #tpu.memory_space<vmem>> -> memref<32xi32, #tpu.memory_space<vmem>>
    %dma_start3A_36 = arith.constant 0 : i32
    %dma_start3A_37 = arith.constant 0 : i32
    %dma_start3A_38 = tpu.memref_slice %arg2[%dma_start3A_36, %dma_start3A_37] : memref<5120x512xi32, #tpu.memory_space<hbm>> -> memref<5120x512xi32, #tpu.memory_space<hbm>>
    tpu.enqueue_indirect_dma source(%dma_start3A_38 : memref<5120x512xi32, #tpu.memory_space<hbm>>) target(%arg6 : memref<32x512xi32, #tpu.memory_space<vmem>>) offsets(%dma_start3A_35 : memref<32xi32, #tpu.memory_space<vmem>>) semaphore(%arg8 : memref<!tpu.dma_semaphore, #tpu.memory_space<semaphore_mem>>)
    %dma_wait3A_39 = arith.constant 1 : i32
    %dma_wait3A_40 = arith.constant 0 : i32
    %dma_wait3A_41 = tpu.memref_slice %arg5[%dma_wait3A_39, %dma_wait3A_40] : memref<4x32xi32, #tpu.memory_space<vmem>> -> memref<1x32xi32, #tpu.memory_space<vmem>>
    %dma_wait3A_42 = tpu.memref_squeeze %dma_wait3A_41 : memref<1x32xi32, #tpu.memory_space<vmem>> -> memref<32xi32, #tpu.memory_space<vmem>>
    %dma_wait3A_43 = arith.constant 0 : i32
    %dma_wait3A_44 = arith.constant 0 : i32
    %dma_wait3A_45 = tpu.memref_slice %arg2[%dma_wait3A_43, %dma_wait3A_44] : memref<5120x512xi32, #tpu.memory_space<hbm>> -> memref<5120x512xi32, #tpu.memory_space<hbm>>
    tpu.wait_indirect_dma semaphore(%arg9 : memref<!tpu.dma_semaphore, #tpu.memory_space<semaphore_mem>>) src(%dma_wait3A_45 : memref<5120x512xi32, #tpu.memory_space<hbm>>) dst(%arg7 : memref<32x512xi32, #tpu.memory_space<vmem>>)
    %add3A_46 = arith.constant 32 : i32
    %add3A_47 = arith.addi %mul3A_2, %add3A_46 : i32
    %dma_start3A_48 = arith.constant 0 : i32
    %dma_start3A_49 = tpu.memref_slice %arg4[%add3A_47, %dma_start3A_48] : memref<4096x512xi32, #tpu.memory_space<hbm>> -> memref<32x512xi32, #tpu.memory_space<hbm>>
    %dma_start3A_50 = arith.constant 0 : i32
    %dma_start3A_51 = tpu.memref_slice %arg4[%add3A_47, %dma_start3A_50] : memref<4096x512xi32, #tpu.memory_space<hbm>> -> memref<32x512xi32, #tpu.memory_space<hbm>>
    tpu.enqueue_dma source(%arg7 : memref<32x512xi32, #tpu.memory_space<vmem>>) target(%dma_start3A_51 : memref<32x512xi32, #tpu.memory_space<hbm>>) target_semaphore(%arg11 : memref<!tpu.dma_semaphore, #tpu.memory_space<semaphore_mem>>)
    %dma_wait3A_52 = arith.constant 0 : i32
    %dma_wait3A_53 = tpu.memref_slice %arg4[%add3A_47, %dma_wait3A_52] : memref<4096x512xi32, #tpu.memory_space<hbm>> -> memref<32x512xi32, #tpu.memory_space<hbm>>
    %dma_wait3A_54 = arith.constant 0 : i32
    %dma_wait3A_55 = tpu.memref_slice %arg4[%add3A_47, %dma_wait3A_54] : memref<4096x512xi32, #tpu.memory_space<hbm>> -> memref<32x512xi32, #tpu.memory_space<hbm>>
    tpu.wait_dma2 semaphore(%arg11 : memref<!tpu.dma_semaphore, #tpu.memory_space<semaphore_mem>>) src(%arg7 : memref<32x512xi32, #tpu.memory_space<vmem>>) dst(%dma_wait3A_55 : memref<32x512xi32, #tpu.memory_space<hbm>>)
    %dma_start3A_56 = arith.constant 3 : i32
    %dma_start3A_57 = arith.constant 0 : i32
    %dma_start3A_58 = tpu.memref_slice %arg5[%dma_start3A_56, %dma_start3A_57] : memref<4x32xi32, #tpu.memory_space<vmem>> -> memref<1x32xi32, #tpu.memory_space<vmem>>
    %dma_start3A_59 = tpu.memref_squeeze %dma_start3A_58 : memref<1x32xi32, #tpu.memory_space<vmem>> -> memref<32xi32, #tpu.memory_space<vmem>>
    %dma_start3A_60 = arith.constant 0 : i32
    %dma_start3A_61 = arith.constant 0 : i32
    %dma_start3A_62 = tpu.memref_slice %arg2[%dma_start3A_60, %dma_start3A_61] : memref<5120x512xi32, #tpu.memory_space<hbm>> -> memref<5120x512xi32, #tpu.memory_space<hbm>>
    tpu.enqueue_indirect_dma source(%dma_start3A_62 : memref<5120x512xi32, #tpu.memory_space<hbm>>) target(%arg7 : memref<32x512xi32, #tpu.memory_space<vmem>>) offsets(%dma_start3A_59 : memref<32xi32, #tpu.memory_space<vmem>>) semaphore(%arg9 : memref<!tpu.dma_semaphore, #tpu.memory_space<semaphore_mem>>)
    %dma_wait3A_63 = arith.constant 2 : i32
    %dma_wait3A_64 = arith.constant 0 : i32
    %dma_wait3A_65 = tpu.memref_slice %arg5[%dma_wait3A_63, %dma_wait3A_64] : memref<4x32xi32, #tpu.memory_space<vmem>> -> memref<1x32xi32, #tpu.memory_space<vmem>>
    %dma_wait3A_66 = tpu.memref_squeeze %dma_wait3A_65 : memref<1x32xi32, #tpu.memory_space<vmem>> -> memref<32xi32, #tpu.memory_space<vmem>>
    %dma_wait3A_67 = arith.constant 0 : i32
    %dma_wait3A_68 = arith.constant 0 : i32
    %dma_wait3A_69 = tpu.memref_slice %arg2[%dma_wait3A_67, %dma_wait3A_68] : memref<5120x512xi32, #tpu.memory_space<hbm>> -> memref<5120x512xi32, #tpu.memory_space<hbm>>
    tpu.wait_indirect_dma semaphore(%arg8 : memref<!tpu.dma_semaphore, #tpu.memory_space<semaphore_mem>>) src(%dma_wait3A_69 : memref<5120x512xi32, #tpu.memory_space<hbm>>) dst(%arg6 : memref<32x512xi32, #tpu.memory_space<vmem>>)
    %add3A_70 = arith.constant 64 : i32
    %add3A_71 = arith.addi %mul3A_2, %add3A_70 : i32
    %dma_start3A_72 = arith.constant 0 : i32
    %dma_start3A_73 = tpu.memref_slice %arg4[%add3A_71, %dma_start3A_72] : memref<4096x512xi32, #tpu.memory_space<hbm>> -> memref<32x512xi32, #tpu.memory_space<hbm>>
    %dma_start3A_74 = arith.constant 0 : i32
    %dma_start3A_75 = tpu.memref_slice %arg4[%add3A_71, %dma_start3A_74] : memref<4096x512xi32, #tpu.memory_space<hbm>> -> memref<32x512xi32, #tpu.memory_space<hbm>>
    tpu.enqueue_dma source(%arg6 : memref<32x512xi32, #tpu.memory_space<vmem>>) target(%dma_start3A_75 : memref<32x512xi32, #tpu.memory_space<hbm>>) target_semaphore(%arg10 : memref<!tpu.dma_semaphore, #tpu.memory_space<semaphore_mem>>)
    %dma_wait3A_76 = arith.constant 3 : i32
    %dma_wait3A_77 = arith.constant 0 : i32
    %dma_wait3A_78 = tpu.memref_slice %arg5[%dma_wait3A_76, %dma_wait3A_77] : memref<4x32xi32, #tpu.memory_space<vmem>> -> memref<1x32xi32, #tpu.memory_space<vmem>>
    %dma_wait3A_79 = tpu.memref_squeeze %dma_wait3A_78 : memref<1x32xi32, #tpu.memory_space<vmem>> -> memref<32xi32, #tpu.memory_space<vmem>>
    %dma_wait3A_80 = arith.constant 0 : i32
    %dma_wait3A_81 = arith.constant 0 : i32
    %dma_wait3A_82 = tpu.memref_slice %arg2[%dma_wait3A_80, %dma_wait3A_81] : memref<5120x512xi32, #tpu.memory_space<hbm>> -> memref<5120x512xi32, #tpu.memory_space<hbm>>
    tpu.wait_indirect_dma semaphore(%arg9 : memref<!tpu.dma_semaphore, #tpu.memory_space<semaphore_mem>>) src(%dma_wait3A_82 : memref<5120x512xi32, #tpu.memory_space<hbm>>) dst(%arg7 : memref<32x512xi32, #tpu.memory_space<vmem>>)
    %add3A_83 = arith.constant 96 : i32
    %add3A_84 = arith.addi %mul3A_2, %add3A_83 : i32
    %dma_start3A_85 = arith.constant 0 : i32
    %dma_start3A_86 = tpu.memref_slice %arg4[%add3A_84, %dma_start3A_85] : memref<4096x512xi32, #tpu.memory_space<hbm>> -> memref<32x512xi32, #tpu.memory_space<hbm>>
    %dma_start3A_87 = arith.constant 0 : i32
    %dma_start3A_88 = tpu.memref_slice %arg4[%add3A_84, %dma_start3A_87] : memref<4096x512xi32, #tpu.memory_space<hbm>> -> memref<32x512xi32, #tpu.memory_space<hbm>>
    tpu.enqueue_dma source(%arg7 : memref<32x512xi32, #tpu.memory_space<vmem>>) target(%dma_start3A_88 : memref<32x512xi32, #tpu.memory_space<hbm>>) target_semaphore(%arg11 : memref<!tpu.dma_semaphore, #tpu.memory_space<semaphore_mem>>)
    %dma_wait3A_89 = arith.constant 0 : i32
    %dma_wait3A_90 = tpu.memref_slice %arg4[%add3A_71, %dma_wait3A_89] : memref<4096x512xi32, #tpu.memory_space<hbm>> -> memref<32x512xi32, #tpu.memory_space<hbm>>
    %dma_wait3A_91 = arith.constant 0 : i32
    %dma_wait3A_92 = tpu.memref_slice %arg4[%add3A_71, %dma_wait3A_91] : memref<4096x512xi32, #tpu.memory_space<hbm>> -> memref<32x512xi32, #tpu.memory_space<hbm>>
    tpu.wait_dma2 semaphore(%arg10 : memref<!tpu.dma_semaphore, #tpu.memory_space<semaphore_mem>>) src(%arg6 : memref<32x512xi32, #tpu.memory_space<vmem>>) dst(%dma_wait3A_92 : memref<32x512xi32, #tpu.memory_space<hbm>>)
    %dma_wait3A_93 = arith.constant 0 : i32
    %dma_wait3A_94 = tpu.memref_slice %arg4[%add3A_84, %dma_wait3A_93] : memref<4096x512xi32, #tpu.memory_space<hbm>> -> memref<32x512xi32, #tpu.memory_space<hbm>>
    %dma_wait3A_95 = arith.constant 0 : i32
    %dma_wait3A_96 = tpu.memref_slice %arg4[%add3A_84, %dma_wait3A_95] : memref<4096x512xi32, #tpu.memory_space<hbm>> -> memref<32x512xi32, #tpu.memory_space<hbm>>
    tpu.wait_dma2 semaphore(%arg11 : memref<!tpu.dma_semaphore, #tpu.memory_space<semaphore_mem>>) src(%arg7 : memref<32x512xi32, #tpu.memory_space<vmem>>) dst(%dma_wait3A_96 : memref<32x512xi32, #tpu.memory_space<hbm>>)
    return
  }
}

#map = affine_map<(d0, d1) -> (0, 0)>
#map1 = affine_map<(d0, d1) -> (0, 0, 0)>
module attributes {stable_mosaic.version = 14 : i64} {
  func.func @k(%arg0: i32, %arg1: i32, %arg2: memref<2048x512xi32, #tpu.memory_space<hbm>>, %arg3: memref<32x1x64xi32, #tpu.memory_space<hbm>>, %arg4: memref<32x1x64xi32, #tpu.memory_space<hbm>>, %arg5: memref<5120x512xi32, #tpu.memory_space<hbm>>, %arg6: memref<1x64xi32, #tpu.memory_space<vmem>>, %arg7: memref<1x64xi32, #tpu.memory_space<vmem>>, %arg8: memref<64x512xi32, #tpu.memory_space<vmem>>, %arg9: memref<!tpu.dma_semaphore, #tpu.memory_space<semaphore_mem>>, %arg10: memref<!tpu.dma_semaphore, #tpu.memory_space<semaphore_mem>>) attributes {dimension_semantics = [#tpu.dimension_semantics<core_parallel>, #tpu.dimension_semantics<subcore_parallel>], iteration_bounds = array<i64: 2, 16>, scalar_prefetch = 0 : i64, scratch_operands = 5 : i64, tpu.core_type = #tpu.core_type<sc_vector_subcore>, window_params = [{transform_indices = #map}, {transform_indices = #map1}, {transform_indices = #map1}, {transform_indices = #map}]} {
    %mul3A = arith.constant 2 : i32
    %mul3A_0 = arith.muli %arg1, %mul3A : i32
    %add3A = arith.addi %mul3A_0, %arg0 : i32
    "tpu.region"() ({
      %run_scoped3A = tpu.sem_alloc : memref<!tpu.dma_semaphore, #tpu.memory_space<semaphore_mem>>
      %dma_start3A_29 = arith.constant 0 : i32
      %dma_start3A_30 = arith.constant 0 : i32
      %dma_start3A_31 = tpu.memref_slice %arg3[%add3A, %dma_start3A_29, %dma_start3A_30] : memref<32x1x64xi32, #tpu.memory_space<hbm>> -> memref<1x1x64xi32, #tpu.memory_space<hbm>>
      %dma_start3A_32 = tpu.memref_squeeze %dma_start3A_31 : memref<1x1x64xi32, #tpu.memory_space<hbm>> -> memref<1x64xi32, #tpu.memory_space<hbm>>
      %dma_start3A_33 = arith.constant 0 : i32
      %dma_start3A_34 = arith.constant 0 : i32
      %dma_start3A_35 = tpu.memref_slice %arg3[%add3A, %dma_start3A_33, %dma_start3A_34] : memref<32x1x64xi32, #tpu.memory_space<hbm>> -> memref<1x1x64xi32, #tpu.memory_space<hbm>>
      %dma_start3A_36 = tpu.memref_squeeze %dma_start3A_35 : memref<1x1x64xi32, #tpu.memory_space<hbm>> -> memref<1x64xi32, #tpu.memory_space<hbm>>
      tpu.enqueue_dma source(%dma_start3A_36 : memref<1x64xi32, #tpu.memory_space<hbm>>) target(%arg6 : memref<1x64xi32, #tpu.memory_space<vmem>>) target_semaphore(%run_scoped3A : memref<!tpu.dma_semaphore, #tpu.memory_space<semaphore_mem>>)
      %dma_wait3A_37 = arith.constant 0 : i32
      %dma_wait3A_38 = arith.constant 0 : i32
      %dma_wait3A_39 = tpu.memref_slice %arg3[%add3A, %dma_wait3A_37, %dma_wait3A_38] : memref<32x1x64xi32, #tpu.memory_space<hbm>> -> memref<1x1x64xi32, #tpu.memory_space<hbm>>
      %dma_wait3A_40 = tpu.memref_squeeze %dma_wait3A_39 : memref<1x1x64xi32, #tpu.memory_space<hbm>> -> memref<1x64xi32, #tpu.memory_space<hbm>>
      %dma_wait3A_41 = arith.constant 0 : i32
      %dma_wait3A_42 = arith.constant 0 : i32
      %dma_wait3A_43 = tpu.memref_slice %arg3[%add3A, %dma_wait3A_41, %dma_wait3A_42] : memref<32x1x64xi32, #tpu.memory_space<hbm>> -> memref<1x1x64xi32, #tpu.memory_space<hbm>>
      %dma_wait3A_44 = tpu.memref_squeeze %dma_wait3A_43 : memref<1x1x64xi32, #tpu.memory_space<hbm>> -> memref<1x64xi32, #tpu.memory_space<hbm>>
      tpu.wait_dma2 semaphore(%run_scoped3A : memref<!tpu.dma_semaphore, #tpu.memory_space<semaphore_mem>>) src(%dma_wait3A_44 : memref<1x64xi32, #tpu.memory_space<hbm>>) dst(%arg6 : memref<1x64xi32, #tpu.memory_space<vmem>>)
      tpu.yield
    }) : () -> ()
    "tpu.region"() ({
      %run_scoped3A = tpu.sem_alloc : memref<!tpu.dma_semaphore, #tpu.memory_space<semaphore_mem>>
      %dma_start3A_29 = arith.constant 0 : i32
      %dma_start3A_30 = arith.constant 0 : i32
      %dma_start3A_31 = tpu.memref_slice %arg4[%add3A, %dma_start3A_29, %dma_start3A_30] : memref<32x1x64xi32, #tpu.memory_space<hbm>> -> memref<1x1x64xi32, #tpu.memory_space<hbm>>
      %dma_start3A_32 = tpu.memref_squeeze %dma_start3A_31 : memref<1x1x64xi32, #tpu.memory_space<hbm>> -> memref<1x64xi32, #tpu.memory_space<hbm>>
      %dma_start3A_33 = arith.constant 0 : i32
      %dma_start3A_34 = arith.constant 0 : i32
      %dma_start3A_35 = tpu.memref_slice %arg4[%add3A, %dma_start3A_33, %dma_start3A_34] : memref<32x1x64xi32, #tpu.memory_space<hbm>> -> memref<1x1x64xi32, #tpu.memory_space<hbm>>
      %dma_start3A_36 = tpu.memref_squeeze %dma_start3A_35 : memref<1x1x64xi32, #tpu.memory_space<hbm>> -> memref<1x64xi32, #tpu.memory_space<hbm>>
      tpu.enqueue_dma source(%dma_start3A_36 : memref<1x64xi32, #tpu.memory_space<hbm>>) target(%arg7 : memref<1x64xi32, #tpu.memory_space<vmem>>) target_semaphore(%run_scoped3A : memref<!tpu.dma_semaphore, #tpu.memory_space<semaphore_mem>>)
      %dma_wait3A_37 = arith.constant 0 : i32
      %dma_wait3A_38 = arith.constant 0 : i32
      %dma_wait3A_39 = tpu.memref_slice %arg4[%add3A, %dma_wait3A_37, %dma_wait3A_38] : memref<32x1x64xi32, #tpu.memory_space<hbm>> -> memref<1x1x64xi32, #tpu.memory_space<hbm>>
      %dma_wait3A_40 = tpu.memref_squeeze %dma_wait3A_39 : memref<1x1x64xi32, #tpu.memory_space<hbm>> -> memref<1x64xi32, #tpu.memory_space<hbm>>
      %dma_wait3A_41 = arith.constant 0 : i32
      %dma_wait3A_42 = arith.constant 0 : i32
      %dma_wait3A_43 = tpu.memref_slice %arg4[%add3A, %dma_wait3A_41, %dma_wait3A_42] : memref<32x1x64xi32, #tpu.memory_space<hbm>> -> memref<1x1x64xi32, #tpu.memory_space<hbm>>
      %dma_wait3A_44 = tpu.memref_squeeze %dma_wait3A_43 : memref<1x1x64xi32, #tpu.memory_space<hbm>> -> memref<1x64xi32, #tpu.memory_space<hbm>>
      tpu.wait_dma2 semaphore(%run_scoped3A : memref<!tpu.dma_semaphore, #tpu.memory_space<semaphore_mem>>) src(%dma_wait3A_44 : memref<1x64xi32, #tpu.memory_space<hbm>>) dst(%arg7 : memref<1x64xi32, #tpu.memory_space<vmem>>)
      tpu.yield
    }) : () -> ()
    %mul3A_1 = arith.constant 64 : i32
    %mul3A_2 = arith.muli %add3A, %mul3A_1 : i32
    "tpu.region"() ({
      %run_scoped3A = tpu.sem_alloc : memref<!tpu.dma_semaphore, #tpu.memory_space<semaphore_mem>>
      %dma_start3A_29 = arith.constant 0 : i32
      %dma_start3A_30 = tpu.memref_slice %arg2[%mul3A_2, %dma_start3A_29] : memref<2048x512xi32, #tpu.memory_space<hbm>> -> memref<64x512xi32, #tpu.memory_space<hbm>>
      %dma_start3A_31 = arith.constant 0 : i32
      %dma_start3A_32 = tpu.memref_slice %arg2[%mul3A_2, %dma_start3A_31] : memref<2048x512xi32, #tpu.memory_space<hbm>> -> memref<64x512xi32, #tpu.memory_space<hbm>>
      tpu.enqueue_dma source(%dma_start3A_32 : memref<64x512xi32, #tpu.memory_space<hbm>>) target(%arg8 : memref<64x512xi32, #tpu.memory_space<vmem>>) target_semaphore(%run_scoped3A : memref<!tpu.dma_semaphore, #tpu.memory_space<semaphore_mem>>)
      %dma_wait3A_33 = arith.constant 0 : i32
      %dma_wait3A_34 = tpu.memref_slice %arg2[%mul3A_2, %dma_wait3A_33] : memref<2048x512xi32, #tpu.memory_space<hbm>> -> memref<64x512xi32, #tpu.memory_space<hbm>>
      %dma_wait3A_35 = arith.constant 0 : i32
      %dma_wait3A_36 = tpu.memref_slice %arg2[%mul3A_2, %dma_wait3A_35] : memref<2048x512xi32, #tpu.memory_space<hbm>> -> memref<64x512xi32, #tpu.memory_space<hbm>>
      tpu.wait_dma2 semaphore(%run_scoped3A : memref<!tpu.dma_semaphore, #tpu.memory_space<semaphore_mem>>) src(%dma_wait3A_36 : memref<64x512xi32, #tpu.memory_space<hbm>>) dst(%arg8 : memref<64x512xi32, #tpu.memory_space<vmem>>)
      tpu.yield
    }) : () -> ()
    %dma_start3A = arith.constant 0 : i32
    %dma_start3A_3 = arith.constant 0 : i32
    %dma_start3A_4 = tpu.memref_slice %arg6[%dma_start3A, %dma_start3A_3] : memref<1x64xi32, #tpu.memory_space<vmem>> -> memref<1x64xi32, #tpu.memory_space<vmem>>
    %dma_start3A_5 = tpu.memref_squeeze %dma_start3A_4 : memref<1x64xi32, #tpu.memory_space<vmem>> -> memref<64xi32, #tpu.memory_space<vmem>>
    %dma_start3A_6 = arith.constant 0 : i32
    %dma_start3A_7 = arith.constant 0 : i32
    %dma_start3A_8 = tpu.memref_slice %arg5[%dma_start3A_6, %dma_start3A_7] : memref<5120x512xi32, #tpu.memory_space<hbm>> -> memref<5120x512xi32, #tpu.memory_space<hbm>>
    tpu.enqueue_indirect_dma source(%arg8 : memref<64x512xi32, #tpu.memory_space<vmem>>) target(%dma_start3A_8 : memref<5120x512xi32, #tpu.memory_space<hbm>>) offsets(%dma_start3A_5 : memref<64xi32, #tpu.memory_space<vmem>>) semaphore(%arg9 : memref<!tpu.dma_semaphore, #tpu.memory_space<semaphore_mem>>)
    %dma_start3A_9 = arith.constant 0 : i32
    %dma_start3A_10 = arith.constant 0 : i32
    %dma_start3A_11 = tpu.memref_slice %arg7[%dma_start3A_9, %dma_start3A_10] : memref<1x64xi32, #tpu.memory_space<vmem>> -> memref<1x64xi32, #tpu.memory_space<vmem>>
    %dma_start3A_12 = tpu.memref_squeeze %dma_start3A_11 : memref<1x64xi32, #tpu.memory_space<vmem>> -> memref<64xi32, #tpu.memory_space<vmem>>
    %dma_start3A_13 = arith.constant 0 : i32
    %dma_start3A_14 = arith.constant 0 : i32
    %dma_start3A_15 = tpu.memref_slice %arg5[%dma_start3A_13, %dma_start3A_14] : memref<5120x512xi32, #tpu.memory_space<hbm>> -> memref<5120x512xi32, #tpu.memory_space<hbm>>
    tpu.enqueue_indirect_dma source(%arg8 : memref<64x512xi32, #tpu.memory_space<vmem>>) target(%dma_start3A_15 : memref<5120x512xi32, #tpu.memory_space<hbm>>) offsets(%dma_start3A_12 : memref<64xi32, #tpu.memory_space<vmem>>) semaphore(%arg10 : memref<!tpu.dma_semaphore, #tpu.memory_space<semaphore_mem>>)
    %dma_wait3A = arith.constant 0 : i32
    %dma_wait3A_16 = arith.constant 0 : i32
    %dma_wait3A_17 = tpu.memref_slice %arg6[%dma_wait3A, %dma_wait3A_16] : memref<1x64xi32, #tpu.memory_space<vmem>> -> memref<1x64xi32, #tpu.memory_space<vmem>>
    %dma_wait3A_18 = tpu.memref_squeeze %dma_wait3A_17 : memref<1x64xi32, #tpu.memory_space<vmem>> -> memref<64xi32, #tpu.memory_space<vmem>>
    %dma_wait3A_19 = arith.constant 0 : i32
    %dma_wait3A_20 = arith.constant 0 : i32
    %dma_wait3A_21 = tpu.memref_slice %arg5[%dma_wait3A_19, %dma_wait3A_20] : memref<5120x512xi32, #tpu.memory_space<hbm>> -> memref<5120x512xi32, #tpu.memory_space<hbm>>
    tpu.wait_indirect_dma semaphore(%arg9 : memref<!tpu.dma_semaphore, #tpu.memory_space<semaphore_mem>>) src(%arg8 : memref<64x512xi32, #tpu.memory_space<vmem>>) dst(%dma_wait3A_21 : memref<5120x512xi32, #tpu.memory_space<hbm>>)
    %dma_wait3A_22 = arith.constant 0 : i32
    %dma_wait3A_23 = arith.constant 0 : i32
    %dma_wait3A_24 = tpu.memref_slice %arg7[%dma_wait3A_22, %dma_wait3A_23] : memref<1x64xi32, #tpu.memory_space<vmem>> -> memref<1x64xi32, #tpu.memory_space<vmem>>
    %dma_wait3A_25 = tpu.memref_squeeze %dma_wait3A_24 : memref<1x64xi32, #tpu.memory_space<vmem>> -> memref<64xi32, #tpu.memory_space<vmem>>
    %dma_wait3A_26 = arith.constant 0 : i32
    %dma_wait3A_27 = arith.constant 0 : i32
    %dma_wait3A_28 = tpu.memref_slice %arg5[%dma_wait3A_26, %dma_wait3A_27] : memref<5120x512xi32, #tpu.memory_space<hbm>> -> memref<5120x512xi32, #tpu.memory_space<hbm>>
    tpu.wait_indirect_dma semaphore(%arg10 : memref<!tpu.dma_semaphore, #tpu.memory_space<semaphore_mem>>) src(%arg8 : memref<64x512xi32, #tpu.memory_space<vmem>>) dst(%dma_wait3A_28 : memref<5120x512xi32, #tpu.memory_space<hbm>>)
    return
  }
}

module attributes {stable_mosaic.version = 14 : i64} {
  func.func @_routing_kernel(%arg0: i32, %arg1: memref<256x1024xf32, #tpu.memory_space<vmem>>, %arg2: memref<1024x128xf32, #tpu.memory_space<vmem>>, %arg3: memref<256x128xi32, #tpu.memory_space<vmem>>, %arg4: memref<256x128xi32, #tpu.memory_space<vmem>>, %arg5: memref<256x128xf32, #tpu.memory_space<vmem>>, %arg6: memref<256x128xf32, #tpu.memory_space<vmem>>, %arg7: memref<256x128xi32, #tpu.memory_space<vmem>>, %arg8: memref<256x128xi32, #tpu.memory_space<vmem>>, %arg9: memref<1x128xi32, #tpu.memory_space<vmem>>, %arg10: memref<256x512xi32, #tpu.memory_space<vmem>>, %arg11: memref<1x128xi32, #tpu.memory_space<vmem>>) attributes {dimension_semantics = [#tpu.dimension_semantics<arbitrary>], iteration_bounds = array<i64: 8>, scalar_prefetch = 0 : i64, scratch_operands = 1 : i64, tpu.core_type = #tpu.core_type<tc>, window_params = [{transform_indices = @transform_0, window_bounds = array<i64: 256, 1024>}, {pipeline_mode = #tpu.pipeline_mode<synchronous>, transform_indices = @transform_1, window_bounds = array<i64: 1024, 128>}, {transform_indices = @transform_2, window_bounds = array<i64: 256, 128>}, {transform_indices = @transform_3, window_bounds = array<i64: 256, 128>}, {transform_indices = @transform_4, window_bounds = array<i64: 256, 128>}, {transform_indices = @transform_5, window_bounds = array<i64: 256, 128>}, {transform_indices = @transform_6, window_bounds = array<i64: 256, 128>}, {transform_indices = @transform_7, window_bounds = array<i64: 256, 128>}, {pipeline_mode = #tpu.pipeline_mode<synchronous>, transform_indices = @transform_8, window_bounds = array<i64: 1, 128>}, {transform_indices = @transform_9, window_bounds = array<i64: 256, 512>}]} {
    %eq3A = arith.constant 0 : i32
    %eq3A_0 = arith.cmpi eq, %arg0, %eq3A : i32
    %convert_element_type3A = arith.extui %eq3A_0 : i1 to i32
    %cond3A = arith.constant 0 : i32
    %cond3A_1 = arith.cmpi ne, %convert_element_type3A, %cond3A : i32
    scf.if %cond3A_1 {
      %broadcast_in_dim3A_140 = arith.constant 0 : i32
      %broadcast_in_dim3A_141 = vector.broadcast %broadcast_in_dim3A_140 : i32 to vector<1x128xi32>
      %swap3A_142 = arith.constant 0 : index
      %swap3A_143 = arith.constant 0 : index
      %swap3A_144 = vector.load %arg11[%swap3A_142, %swap3A_143] : memref<1x128xi32, #tpu.memory_space<vmem>>, vector<1x128xi32>
      tpu.vector_store %arg11[%swap3A_142, %swap3A_143], %broadcast_in_dim3A_141 {strides = array<i32>} : memref<1x128xi32, #tpu.memory_space<vmem>>, vector<1x128xi32>,
    } else {
    }
    %get3A = arith.constant 0 : index
    %get3A_2 = arith.constant 0 : index
    %get3A_3 = vector.load %arg1[%get3A, %get3A_2] : memref<256x1024xf32, #tpu.memory_space<vmem>>, vector<256x1024xf32>
    %convert_element_type3A_4 = arith.truncf %get3A_3 : vector<256x1024xf32> to vector<256x1024xbf16>
    %convert_element_type3A_5 = arith.extf %convert_element_type3A_4 : vector<256x1024xbf16> to vector<256x1024xf32>
    %bitcast_convert_type3A = tpu.bitcast %convert_element_type3A_5 : vector<256x1024xf32> -> vector<256x1024xi32>
    %slice3A = vector.extract_strided_slice %bitcast_convert_type3A {offsets = [0, 0], sizes = [256, 512], strides = [1, 1]} : vector<256x1024xi32> to vector<256x512xi32>
    %shift_right_logical3A = arith.constant 16 : i32
    %shift_right_logical3A_6 = vector.broadcast %shift_right_logical3A : i32 to vector<256x512xi32>
    %shift_right_logical3A_7 = arith.shrui %slice3A, %shift_right_logical3A_6 : vector<256x512xi32>
    %slice3A_8 = vector.extract_strided_slice %bitcast_convert_type3A {offsets = [0, 512], sizes = [256, 512], strides = [1, 1]} : vector<256x1024xi32> to vector<256x512xi32>
    %and3A = arith.constant -65536 : i32
    %and3A_9 = vector.broadcast %and3A : i32 to vector<256x512xi32>
    %and3A_10 = arith.andi %slice3A_8, %and3A_9 : vector<256x512xi32>
    %or3A = arith.ori %and3A_10, %shift_right_logical3A_7 : vector<256x512xi32>
    %swap3A = arith.constant 0 : index
    %swap3A_11 = arith.constant 0 : index
    %swap3A_12 = vector.load %arg10[%swap3A, %swap3A_11] : memref<256x512xi32, #tpu.memory_space<vmem>>, vector<256x512xi32>
    tpu.vector_store %arg10[%swap3A, %swap3A_11], %or3A {strides = array<i32>} : memref<256x512xi32, #tpu.memory_space<vmem>>, vector<256x512xi32>,
    %get3A_13 = arith.constant 0 : index
    %get3A_14 = arith.constant 0 : index
    %get3A_15 = vector.load %arg1[%get3A_13, %get3A_14] : memref<256x1024xf32, #tpu.memory_space<vmem>>, vector<256x1024xf32>
    %get3A_16 = arith.constant 0 : index
    %get3A_17 = arith.constant 0 : index
    %get3A_18 = vector.load %arg2[%get3A_16, %get3A_17] : memref<1024x128xf32, #tpu.memory_space<vmem>>, vector<1024x128xf32>
    %dot_general3A = arith.constant dense<0.000000e+00> : vector<256x128xf32>
    %dot_general3A_19 = tpu.matmul %get3A_15, %get3A_18, %dot_general3A {dimension_numbers = #tpu.dot_dimension_numbers<[1], [0], [0], [1], [0, 0, 1, 1], [], []>, transpose_lhs_hint = false} : vector<256x1024xf32>, vector<1024x128xf32>, vector<256x128xf32> -> vector<256x128xf32>
    %iota3A = tpu.iota {dimensions = array<i32: 1>} : vector<256x128xi32>
    %lt3A = arith.constant 8 : i32
    %lt3A_20 = vector.broadcast %lt3A : i32 to vector<256x128xi32>
    %lt3A_21 = arith.cmpi slt, %iota3A, %lt3A_20 : vector<256x128xi32>
    %jit3A = arith.constant -1.000000e+30 : f32
    %broadcast_in_dim3A = vector.broadcast %jit3A : f32 to vector<256x128xf32>
    %select_n3A = arith.select %lt3A_21, %dot_general3A_19, %broadcast_in_dim3A : vector<256x128xi1>, vector<256x128xf32>
    %reduce_max3A = arith.constant dense<0xFF800000> : vector<256xf32>
    %reduce_max3A_22 = vector.multi_reduction <maximumf>, %select_n3A, %reduce_max3A [1] : vector<256x128xf32> to vector<256xf32>
    %broadcast_in_dim3A_23 = vector.shape_cast %reduce_max3A_22 : vector<256xf32> to vector<256x1xf32>
    %eq3A_24 = vector.broadcast %broadcast_in_dim3A_23 : vector<256x1xf32> to vector<256x128xf32>
    %eq3A_25 = arith.cmpf oeq, %select_n3A, %eq3A_24 : vector<256x128xf32>
    %jit3A_26 = arith.constant 8 : i32
    %broadcast_in_dim3A_27 = vector.broadcast %jit3A_26 : i32 to vector<256x128xi32>
    %select_n3A_28 = arith.select %eq3A_25, %iota3A, %broadcast_in_dim3A_27 : vector<256x128xi1>, vector<256x128xi32>
    %reduce_min3A = arith.constant dense<2147483647> : vector<256xi32>
    %reduce_min3A_29 = vector.multi_reduction <minsi>, %select_n3A_28, %reduce_min3A [1] : vector<256x128xi32> to vector<256xi32>
    %broadcast_in_dim3A_30 = vector.shape_cast %reduce_min3A_29 : vector<256xi32> to vector<256x1xi32>
    %eq3A_31 = vector.broadcast %broadcast_in_dim3A_30 : vector<256x1xi32> to vector<256x128xi32>
    %eq3A_32 = arith.cmpi eq, %iota3A, %eq3A_31 : vector<256x128xi32>
    %jit3A_33 = arith.constant -1.000000e+30 : f32
    %broadcast_in_dim3A_34 = vector.broadcast %jit3A_33 : f32 to vector<256x128xf32>
    %select_n3A_35 = arith.select %eq3A_32, %broadcast_in_dim3A_34, %select_n3A : vector<256x128xi1>, vector<256x128xf32>
    %reduce_max3A_36 = arith.constant dense<0xFF800000> : vector<256xf32>
    %reduce_max3A_37 = vector.multi_reduction <maximumf>, %select_n3A_35, %reduce_max3A_36 [1] : vector<256x128xf32> to vector<256xf32>
    %broadcast_in_dim3A_38 = vector.shape_cast %reduce_max3A_37 : vector<256xf32> to vector<256x1xf32>
    %eq3A_39 = vector.broadcast %broadcast_in_dim3A_38 : vector<256x1xf32> to vector<256x128xf32>
    %eq3A_40 = arith.cmpf oeq, %select_n3A_35, %eq3A_39 : vector<256x128xf32>
    %jit3A_41 = arith.constant 8 : i32
    %broadcast_in_dim3A_42 = vector.broadcast %jit3A_41 : i32 to vector<256x128xi32>
    %select_n3A_43 = arith.select %eq3A_40, %iota3A, %broadcast_in_dim3A_42 : vector<256x128xi1>, vector<256x128xi32>
    %reduce_min3A_44 = arith.constant dense<2147483647> : vector<256xi32>
    %reduce_min3A_45 = vector.multi_reduction <minsi>, %select_n3A_43, %reduce_min3A_44 [1] : vector<256x128xi32> to vector<256xi32>
    %broadcast_in_dim3A_46 = vector.shape_cast %reduce_min3A_45 : vector<256xi32> to vector<256x1xi32>
    %sub3A = arith.subf %broadcast_in_dim3A_38, %broadcast_in_dim3A_23 : vector<256x1xf32>
    %exp3A = math.exp %sub3A : vector<256x1xf32>
    %add3A = arith.constant 1.000000e+00 : f32
    %add3A_47 = vector.broadcast %add3A : f32 to vector<256x1xf32>
    %add3A_48 = arith.addf %add3A_47, %exp3A : vector<256x1xf32>
    %eq3A_49 = vector.broadcast %broadcast_in_dim3A_30 : vector<256x1xi32> to vector<256x128xi32>
    %eq3A_50 = arith.cmpi eq, %iota3A, %eq3A_49 : vector<256x128xi32>
    %convert_element_type3A_51 = arith.extui %eq3A_50 : vector<256x128xi1> to vector<256x128xi32>
    %eq3A_52 = vector.broadcast %broadcast_in_dim3A_46 : vector<256x1xi32> to vector<256x128xi32>
    %eq3A_53 = arith.cmpi eq, %iota3A, %eq3A_52 : vector<256x128xi32>
    %convert_element_type3A_54 = arith.extui %eq3A_53 : vector<256x128xi1> to vector<256x128xi32>
    %iota3A_55 = tpu.iota {dimensions = array<i32: 0>} : vector<256x256xi32>
    %iota3A_56 = tpu.iota {dimensions = array<i32: 1>} : vector<256x256xi32>
    %ge3A = arith.cmpi sge, %iota3A_55, %iota3A_56 : vector<256x256xi32>
    %convert_element_type3A_57 = arith.extui %ge3A : vector<256x256xi1> to vector<256x256xi32>
    %convert_element_type3A_58 = arith.sitofp %convert_element_type3A_57 : vector<256x256xi32> to vector<256x256xf32>
    %convert_element_type3A_59 = arith.sitofp %convert_element_type3A_51 : vector<256x128xi32> to vector<256x128xf32>
    %dot_general3A_60 = arith.constant dense<0.000000e+00> : vector<256x128xf32>
    %dot_general3A_61 = tpu.matmul %convert_element_type3A_58, %convert_element_type3A_59, %dot_general3A_60 {dimension_numbers = #tpu.dot_dimension_numbers<[1], [0], [0], [1], [0, 0, 1, 1], [], []>, transpose_lhs_hint = false} : vector<256x256xf32>, vector<256x128xf32>, vector<256x128xf32> -> vector<256x128xf32>
    %convert_element_type3A_62 = arith.fptosi %dot_general3A_61 : vector<256x128xf32> to vector<256x128xi32>
    %convert_element_type3A_63 = arith.sitofp %convert_element_type3A_54 : vector<256x128xi32> to vector<256x128xf32>
    %dot_general3A_64 = arith.constant dense<0.000000e+00> : vector<256x128xf32>
    %dot_general3A_65 = tpu.matmul %convert_element_type3A_58, %convert_element_type3A_63, %dot_general3A_64 {dimension_numbers = #tpu.dot_dimension_numbers<[1], [0], [0], [1], [0, 0, 1, 1], [], []>, transpose_lhs_hint = false} : vector<256x256xf32>, vector<256x128xf32>, vector<256x128xf32> -> vector<256x128xf32>
    %convert_element_type3A_66 = arith.fptosi %dot_general3A_65 : vector<256x128xf32> to vector<256x128xi32>
    %slice3A_67 = vector.extract_strided_slice %convert_element_type3A_62 {offsets = [255, 0], sizes = [1, 128], strides = [1, 1]} : vector<256x128xi32> to vector<1x128xi32>
    %slice3A_68 = vector.extract_strided_slice %convert_element_type3A_66 {offsets = [255, 0], sizes = [1, 128], strides = [1, 1]} : vector<256x128xi32> to vector<1x128xi32>
    %get3A_69 = arith.constant 0 : index
    %get3A_70 = arith.constant 0 : index
    %get3A_71 = vector.load %arg11[%get3A_69, %get3A_70] : memref<1x128xi32, #tpu.memory_space<vmem>>, vector<1x128xi32>
    %gt3A = arith.constant 0 : i32
    %gt3A_72 = vector.broadcast %gt3A : i32 to vector<256x128xi32>
    %gt3A_73 = arith.cmpi sgt, %convert_element_type3A_51, %gt3A_72 : vector<256x128xi32>
    %add3A_74 = vector.broadcast %get3A_71 : vector<1x128xi32> to vector<256x128xi32>
    %add3A_75 = arith.addi %add3A_74, %convert_element_type3A_62 : vector<256x128xi32>
    %sub3A_76 = arith.constant 1 : i32
    %sub3A_77 = vector.broadcast %sub3A_76 : i32 to vector<256x128xi32>
    %sub3A_78 = arith.subi %add3A_75, %sub3A_77 : vector<256x128xi32>
    %jit3A_79 = arith.constant 0 : i32
    %broadcast_in_dim3A_80 = vector.broadcast %jit3A_79 : i32 to vector<256x128xi32>
    %select_n3A_81 = arith.select %gt3A_73, %sub3A_78, %broadcast_in_dim3A_80 : vector<256x128xi1>, vector<256x128xi32>
    %reduce_sum3A = arith.constant dense<0> : vector<256xi32>
    %reduce_sum3A_82 = vector.multi_reduction <add>, %select_n3A_81, %reduce_sum3A [1] : vector<256x128xi32> to vector<256xi32>
    %broadcast_in_dim3A_83 = vector.shape_cast %reduce_sum3A_82 : vector<256xi32> to vector<256x1xi32>
    %gt3A_84 = arith.constant 0 : i32
    %gt3A_85 = vector.broadcast %gt3A_84 : i32 to vector<256x128xi32>
    %gt3A_86 = arith.cmpi sgt, %convert_element_type3A_54, %gt3A_85 : vector<256x128xi32>
    %add3A_87 = arith.addi %get3A_71, %slice3A_67 : vector<1x128xi32>
    %add3A_88 = vector.broadcast %add3A_87 : vector<1x128xi32> to vector<256x128xi32>
    %add3A_89 = arith.addi %add3A_88, %convert_element_type3A_66 : vector<256x128xi32>
    %sub3A_90 = arith.constant 1 : i32
    %sub3A_91 = vector.broadcast %sub3A_90 : i32 to vector<256x128xi32>
    %sub3A_92 = arith.subi %add3A_89, %sub3A_91 : vector<256x128xi32>
    %jit3A_93 = arith.constant 0 : i32
    %broadcast_in_dim3A_94 = vector.broadcast %jit3A_93 : i32 to vector<256x128xi32>
    %select_n3A_95 = arith.select %gt3A_86, %sub3A_92, %broadcast_in_dim3A_94 : vector<256x128xi1>, vector<256x128xi32>
    %reduce_sum3A_96 = arith.constant dense<0> : vector<256xi32>
    %reduce_sum3A_97 = vector.multi_reduction <add>, %select_n3A_95, %reduce_sum3A_96 [1] : vector<256x128xi32> to vector<256xi32>
    %broadcast_in_dim3A_98 = vector.shape_cast %reduce_sum3A_97 : vector<256xi32> to vector<256x1xi32>
    %add3A_99 = arith.addi %get3A_71, %slice3A_67 : vector<1x128xi32>
    %add3A_100 = arith.addi %add3A_99, %slice3A_68 : vector<1x128xi32>
    %swap3A_101 = arith.constant 0 : index
    %swap3A_102 = arith.constant 0 : index
    %swap3A_103 = vector.load %arg11[%swap3A_101, %swap3A_102] : memref<1x128xi32, #tpu.memory_space<vmem>>, vector<1x128xi32>
    tpu.vector_store %arg11[%swap3A_101, %swap3A_102], %add3A_100 {strides = array<i32>} : memref<1x128xi32, #tpu.memory_space<vmem>>, vector<1x128xi32>,
    %swap3A_104 = arith.constant 0 : index
    %swap3A_105 = arith.constant 0 : index
    %swap3A_106 = vector.load %arg9[%swap3A_104, %swap3A_105] : memref<1x128xi32, #tpu.memory_space<vmem>>, vector<1x128xi32>
    tpu.vector_store %arg9[%swap3A_104, %swap3A_105], %add3A_100 {strides = array<i32>} : memref<1x128xi32, #tpu.memory_space<vmem>>, vector<1x128xi32>,
    %broadcast_in_dim3A_107 = vector.shape_cast %broadcast_in_dim3A_30 : vector<256x1xi32> to vector<256x1xi32>
    %broadcast_in_dim3A_108 = vector.broadcast %broadcast_in_dim3A_107 : vector<256x1xi32> to vector<256x128xi32>
    %swap3A_109 = arith.constant 0 : index
    %swap3A_110 = arith.constant 0 : index
    %swap3A_111 = vector.load %arg3[%swap3A_109, %swap3A_110] : memref<256x128xi32, #tpu.memory_space<vmem>>, vector<256x128xi32>
    tpu.vector_store %arg3[%swap3A_109, %swap3A_110], %broadcast_in_dim3A_108 {strides = array<i32>} : memref<256x128xi32, #tpu.memory_space<vmem>>, vector<256x128xi32>,
    %broadcast_in_dim3A_112 = vector.shape_cast %broadcast_in_dim3A_46 : vector<256x1xi32> to vector<256x1xi32>
    %broadcast_in_dim3A_113 = vector.broadcast %broadcast_in_dim3A_112 : vector<256x1xi32> to vector<256x128xi32>
    %swap3A_114 = arith.constant 0 : index
    %swap3A_115 = arith.constant 0 : index
    %swap3A_116 = vector.load %arg4[%swap3A_114, %swap3A_115] : memref<256x128xi32, #tpu.memory_space<vmem>>, vector<256x128xi32>
    tpu.vector_store %arg4[%swap3A_114, %swap3A_115], %broadcast_in_dim3A_113 {strides = array<i32>} : memref<256x128xi32, #tpu.memory_space<vmem>>, vector<256x128xi32>,
    %div3A = arith.constant 1.000000e+00 : f32
    %div3A_117 = vector.broadcast %div3A : f32 to vector<256x1xf32>
    %div3A_118 = arith.divf %div3A_117, %add3A_48 : vector<256x1xf32>
    %broadcast_in_dim3A_119 = vector.shape_cast %div3A_118 : vector<256x1xf32> to vector<256x1xf32>
    %broadcast_in_dim3A_120 = vector.broadcast %broadcast_in_dim3A_119 : vector<256x1xf32> to vector<256x128xf32>
    %swap3A_121 = arith.constant 0 : index
    %swap3A_122 = arith.constant 0 : index
    %swap3A_123 = vector.load %arg5[%swap3A_121, %swap3A_122] : memref<256x128xf32, #tpu.memory_space<vmem>>, vector<256x128xf32>
    tpu.vector_store %arg5[%swap3A_121, %swap3A_122], %broadcast_in_dim3A_120 {strides = array<i32>} : memref<256x128xf32, #tpu.memory_space<vmem>>, vector<256x128xf32>,
    %div3A_124 = arith.divf %exp3A, %add3A_48 : vector<256x1xf32>
    %broadcast_in_dim3A_125 = vector.shape_cast %div3A_124 : vector<256x1xf32> to vector<256x1xf32>
    %broadcast_in_dim3A_126 = vector.broadcast %broadcast_in_dim3A_125 : vector<256x1xf32> to vector<256x128xf32>
    %swap3A_127 = arith.constant 0 : index
    %swap3A_128 = arith.constant 0 : index
    %swap3A_129 = vector.load %arg6[%swap3A_127, %swap3A_128] : memref<256x128xf32, #tpu.memory_space<vmem>>, vector<256x128xf32>
    tpu.vector_store %arg6[%swap3A_127, %swap3A_128], %broadcast_in_dim3A_126 {strides = array<i32>} : memref<256x128xf32, #tpu.memory_space<vmem>>, vector<256x128xf32>,
    %broadcast_in_dim3A_130 = vector.shape_cast %broadcast_in_dim3A_83 : vector<256x1xi32> to vector<256x1xi32>
    %broadcast_in_dim3A_131 = vector.broadcast %broadcast_in_dim3A_130 : vector<256x1xi32> to vector<256x128xi32>
    %swap3A_132 = arith.constant 0 : index
    %swap3A_133 = arith.constant 0 : index
    %swap3A_134 = vector.load %arg7[%swap3A_132, %swap3A_133] : memref<256x128xi32, #tpu.memory_space<vmem>>, vector<256x128xi32>
    tpu.vector_store %arg7[%swap3A_132, %swap3A_133], %broadcast_in_dim3A_131 {strides = array<i32>} : memref<256x128xi32, #tpu.memory_space<vmem>>, vector<256x128xi32>,
    %broadcast_in_dim3A_135 = vector.shape_cast %broadcast_in_dim3A_98 : vector<256x1xi32> to vector<256x1xi32>
    %broadcast_in_dim3A_136 = vector.broadcast %broadcast_in_dim3A_135 : vector<256x1xi32> to vector<256x128xi32>
    %swap3A_137 = arith.constant 0 : index
    %swap3A_138 = arith.constant 0 : index
    %swap3A_139 = vector.load %arg8[%swap3A_137, %swap3A_138] : memref<256x128xi32, #tpu.memory_space<vmem>>, vector<256x128xi32>
    tpu.vector_store %arg8[%swap3A_137, %swap3A_138], %broadcast_in_dim3A_136 {strides = array<i32>} : memref<256x128xi32, #tpu.memory_space<vmem>>, vector<256x128xi32>,
    return
  }
  func.func @transform_0(%arg0: i32) -> (i32, i32) {
    %c0_i32 = arith.constant 0 : i32
    %c0_i32_0 = arith.constant 0 : i32
    return %arg0, %c0_i32 : i32, i32
  }
  func.func @transform_1(%arg0: i32) -> (i32, i32) {
    %c0_i32 = arith.constant 0 : i32
    %c0_i32_0 = arith.constant 0 : i32
    %c0_i32_1 = arith.constant 0 : i32
    return %c0_i32, %c0_i32_0 : i32, i32
  }
  func.func @transform_2(%arg0: i32) -> (i32, i32) {
    %c0_i32 = arith.constant 0 : i32
    %c0_i32_0 = arith.constant 0 : i32
    return %arg0, %c0_i32 : i32, i32
  }
  func.func @transform_3(%arg0: i32) -> (i32, i32) {
    %c0_i32 = arith.constant 0 : i32
    %c0_i32_0 = arith.constant 0 : i32
    return %arg0, %c0_i32 : i32, i32
  }
  func.func @transform_4(%arg0: i32) -> (i32, i32) {
    %c0_i32 = arith.constant 0 : i32
    %c0_i32_0 = arith.constant 0 : i32
    return %arg0, %c0_i32 : i32, i32
  }
  func.func @transform_5(%arg0: i32) -> (i32, i32) {
    %c0_i32 = arith.constant 0 : i32
    %c0_i32_0 = arith.constant 0 : i32
    return %arg0, %c0_i32 : i32, i32
  }
  func.func @transform_6(%arg0: i32) -> (i32, i32) {
    %c0_i32 = arith.constant 0 : i32
    %c0_i32_0 = arith.constant 0 : i32
    return %arg0, %c0_i32 : i32, i32
  }
  func.func @transform_7(%arg0: i32) -> (i32, i32) {
    %c0_i32 = arith.constant 0 : i32
    %c0_i32_0 = arith.constant 0 : i32
    return %arg0, %c0_i32 : i32, i32
  }
  func.func @transform_8(%arg0: i32) -> (i32, i32) {
    %c0_i32 = arith.constant 0 : i32
    %c0_i32_0 = arith.constant 0 : i32
    %c0_i32_1 = arith.constant 0 : i32
    return %c0_i32, %c0_i32_0 : i32, i32
  }
  func.func @transform_9(%arg0: i32) -> (i32, i32) {
    %c0_i32 = arith.constant 0 : i32
    %c0_i32_0 = arith.constant 0 : i32
    return %arg0, %c0_i32 : i32, i32
  }
}

module attributes {stable_mosaic.version = 14 : i64} {
  func.func @_shared_mlp_kernel(%arg0: i32, %arg1: memref<256x1024xf32, #tpu.memory_space<vmem>>, %arg2: memref<1024x1024xf32, #tpu.memory_space<vmem>>, %arg3: memref<512x1024xf32, #tpu.memory_space<vmem>>, %arg4: memref<256x1024xf32, #tpu.memory_space<vmem>>, %arg5: memref<1024x1024xbf16, #tpu.memory_space<vmem>>, %arg6: memref<512x1024xbf16, #tpu.memory_space<vmem>>) attributes {dimension_semantics = [#tpu.dimension_semantics<arbitrary>], iteration_bounds = array<i64: 8>, scalar_prefetch = 0 : i64, scratch_operands = 2 : i64, tpu.core_type = #tpu.core_type<tc>, window_params = [{transform_indices = @transform_0, window_bounds = array<i64: 256, 1024>}, {pipeline_mode = #tpu.pipeline_mode<synchronous>, transform_indices = @transform_1, window_bounds = array<i64: 1024, 1024>}, {pipeline_mode = #tpu.pipeline_mode<synchronous>, transform_indices = @transform_2, window_bounds = array<i64: 512, 1024>}, {transform_indices = @transform_3, window_bounds = array<i64: 256, 1024>}]} {
    %eq3A = arith.constant 0 : i32
    %eq3A_0 = arith.cmpi eq, %arg0, %eq3A : i32
    %convert_element_type3A = arith.extui %eq3A_0 : i1 to i32
    %cond3A = arith.constant 0 : i32
    %cond3A_1 = arith.cmpi ne, %convert_element_type3A, %cond3A : i32
    scf.if %cond3A_1 {
      %get3A_24 = arith.constant 0 : index
      %get3A_25 = arith.constant 0 : index
      %get3A_26 = vector.load %arg2[%get3A_24, %get3A_25] : memref<1024x1024xf32, #tpu.memory_space<vmem>>, vector<1024x1024xf32>
      %convert_element_type3A_27 = arith.truncf %get3A_26 : vector<1024x1024xf32> to vector<1024x1024xbf16>
      %swap3A_28 = arith.constant 0 : index
      %swap3A_29 = arith.constant 0 : index
      %swap3A_30 = vector.load %arg5[%swap3A_28, %swap3A_29] : memref<1024x1024xbf16, #tpu.memory_space<vmem>>, vector<1024x1024xbf16>
      tpu.vector_store %arg5[%swap3A_28, %swap3A_29], %convert_element_type3A_27 {strides = array<i32>} : memref<1024x1024xbf16, #tpu.memory_space<vmem>>, vector<1024x1024xbf16>,
      %get3A_31 = arith.constant 0 : index
      %get3A_32 = arith.constant 0 : index
      %get3A_33 = vector.load %arg3[%get3A_31, %get3A_32] : memref<512x1024xf32, #tpu.memory_space<vmem>>, vector<512x1024xf32>
      %convert_element_type3A_34 = arith.truncf %get3A_33 : vector<512x1024xf32> to vector<512x1024xbf16>
      %swap3A_35 = arith.constant 0 : index
      %swap3A_36 = arith.constant 0 : index
      %swap3A_37 = vector.load %arg6[%swap3A_35, %swap3A_36] : memref<512x1024xbf16, #tpu.memory_space<vmem>>, vector<512x1024xbf16>
      tpu.vector_store %arg6[%swap3A_35, %swap3A_36], %convert_element_type3A_34 {strides = array<i32>} : memref<512x1024xbf16, #tpu.memory_space<vmem>>, vector<512x1024xbf16>,
    } else {
    }
    %get3A = arith.constant 0 : index
    %get3A_2 = arith.constant 0 : index
    %get3A_3 = vector.load %arg1[%get3A, %get3A_2] : memref<256x1024xf32, #tpu.memory_space<vmem>>, vector<256x1024xf32>
    %convert_element_type3A_4 = arith.truncf %get3A_3 : vector<256x1024xf32> to vector<256x1024xbf16>
    %get3A_5 = arith.constant 0 : index
    %get3A_6 = arith.constant 0 : index
    %get3A_7 = vector.load %arg5[%get3A_5, %get3A_6] : memref<1024x1024xbf16, #tpu.memory_space<vmem>>, vector<1024x1024xbf16>
    %dot_general3A = arith.constant dense<0.000000e+00> : vector<256x1024xf32>
    %dot_general3A_8 = tpu.matmul %convert_element_type3A_4, %get3A_7, %dot_general3A {dimension_numbers = #tpu.dot_dimension_numbers<[1], [0], [0], [1], [0, 0, 1, 1], [], []>, transpose_lhs_hint = false} : vector<256x1024xbf16>, vector<1024x1024xbf16>, vector<256x1024xf32> -> vector<256x1024xf32>
    %slice3A = vector.extract_strided_slice %dot_general3A_8 {offsets = [0, 0], sizes = [256, 512], strides = [1, 1]} : vector<256x1024xf32> to vector<256x512xf32>
    %slice3A_9 = vector.extract_strided_slice %dot_general3A_8 {offsets = [0, 512], sizes = [256, 512], strides = [1, 1]} : vector<256x1024xf32> to vector<256x512xf32>
    %logistic3A = arith.negf %slice3A : vector<256x512xf32>
    %logistic3A_10 = math.exp %logistic3A : vector<256x512xf32>
    %logistic3A_11 = arith.constant 1.000000e+00 : f32
    %logistic3A_12 = vector.broadcast %logistic3A_11 : f32 to vector<256x512xf32>
    %logistic3A_13 = arith.addf %logistic3A_12, %logistic3A_10 : vector<256x512xf32>
    %logistic3A_14 = arith.divf %logistic3A_12, %logistic3A_13 : vector<256x512xf32>
    %mul3A = arith.mulf %slice3A, %logistic3A_14 : vector<256x512xf32>
    %mul3A_15 = arith.mulf %mul3A, %slice3A_9 : vector<256x512xf32>
    %convert_element_type3A_16 = arith.truncf %mul3A_15 : vector<256x512xf32> to vector<256x512xbf16>
    %get3A_17 = arith.constant 0 : index
    %get3A_18 = arith.constant 0 : index
    %get3A_19 = vector.load %arg6[%get3A_17, %get3A_18] : memref<512x1024xbf16, #tpu.memory_space<vmem>>, vector<512x1024xbf16>
    %dot_general3A_20 = arith.constant dense<0.000000e+00> : vector<256x1024xf32>
    %dot_general3A_21 = tpu.matmul %convert_element_type3A_16, %get3A_19, %dot_general3A_20 {dimension_numbers = #tpu.dot_dimension_numbers<[1], [0], [0], [1], [0, 0, 1, 1], [], []>, transpose_lhs_hint = false} : vector<256x512xbf16>, vector<512x1024xbf16>, vector<256x1024xf32> -> vector<256x1024xf32>
    %swap3A = arith.constant 0 : index
    %swap3A_22 = arith.constant 0 : index
    %swap3A_23 = vector.load %arg4[%swap3A, %swap3A_22] : memref<256x1024xf32, #tpu.memory_space<vmem>>, vector<256x1024xf32>
    tpu.vector_store %arg4[%swap3A, %swap3A_22], %dot_general3A_21 {strides = array<i32>} : memref<256x1024xf32, #tpu.memory_space<vmem>>, vector<256x1024xf32>,
    return
  }
  func.func @transform_0(%arg0: i32) -> (i32, i32) {
    %c0_i32 = arith.constant 0 : i32
    %c0_i32_0 = arith.constant 0 : i32
    return %arg0, %c0_i32 : i32, i32
  }
  func.func @transform_1(%arg0: i32) -> (i32, i32) {
    %c0_i32 = arith.constant 0 : i32
    %c0_i32_0 = arith.constant 0 : i32
    %c0_i32_1 = arith.constant 0 : i32
    return %c0_i32, %c0_i32_0 : i32, i32
  }
  func.func @transform_2(%arg0: i32) -> (i32, i32) {
    %c0_i32 = arith.constant 0 : i32
    %c0_i32_0 = arith.constant 0 : i32
    %c0_i32_1 = arith.constant 0 : i32
    return %c0_i32, %c0_i32_0 : i32, i32
  }
  func.func @transform_3(%arg0: i32) -> (i32, i32) {
    %c0_i32 = arith.constant 0 : i32
    %c0_i32_0 = arith.constant 0 : i32
    return %arg0, %c0_i32 : i32, i32
  }
}

module attributes {stable_mosaic.version = 14 : i64} {
  func.func @_moe_mlp_kernel(%arg0: i32, %arg1: memref<40xi32, #tpu.memory_space<smem>>, %arg2: memref<128x512xi32, #tpu.memory_space<vmem>>, %arg3: memref<1x1024x1024xf32, #tpu.memory_space<vmem>>, %arg4: memref<1x512x1024xf32, #tpu.memory_space<vmem>>, %arg5: memref<128x512xi32, #tpu.memory_space<vmem>>, %arg6: memref<1024x1024xbf16, #tpu.memory_space<vmem>>, %arg7: memref<512x1024xbf16, #tpu.memory_space<vmem>>) attributes {dimension_semantics = [#tpu.dimension_semantics<arbitrary>], iteration_bounds = array<i64: 40>, scalar_prefetch = 1 : i64, scratch_operands = 2 : i64, tpu.core_type = #tpu.core_type<tc>, window_params = [{transform_indices = @transform_0, window_bounds = array<i64: 128, 512>}, {transform_indices = @transform_1, window_bounds = array<i64: 1, 1024, 1024>}, {transform_indices = @transform_2, window_bounds = array<i64: 1, 512, 1024>}, {transform_indices = @transform_3, window_bounds = array<i64: 128, 512>}]} {
    %eq3A = arith.constant 0 : i32
    %eq3A_0 = arith.cmpi eq, %arg0, %eq3A : i32
    %get3A = arith.index_cast %arg0 : i32 to index
    %get3A_1 = memref.load %arg1[%get3A] : memref<40xi32, #tpu.memory_space<smem>>
    %sub3A = arith.constant 1 : i32
    %sub3A_2 = arith.subi %arg0, %sub3A : i32
    %max3A = arith.constant 0 : i32
    %max3A_3 = arith.maxsi %sub3A_2, %max3A : i32
    %get3A_4 = arith.index_cast %max3A_3 : i32 to index
    %get3A_5 = memref.load %arg1[%get3A_4] : memref<40xi32, #tpu.memory_space<smem>>
    %ne3A = arith.cmpi ne, %get3A_1, %get3A_5 : i32
    %or3A = arith.ori %eq3A_0, %ne3A : i1
    %convert_element_type3A = arith.extui %or3A : i1 to i32
    %cond3A = arith.constant 0 : i32
    %cond3A_6 = arith.cmpi ne, %convert_element_type3A, %cond3A : i32
    scf.if %cond3A_6 {
      %get3A_46 = arith.constant 0 : index
      %get3A_47 = arith.constant 0 : index
      %get3A_48 = arith.constant 0 : index
      %get3A_49 = vector.load %arg3[%get3A_46, %get3A_47, %get3A_48] : memref<1x1024x1024xf32, #tpu.memory_space<vmem>>, vector<1x1024x1024xf32>
      %get3A_50 = vector.shape_cast %get3A_49 : vector<1x1024x1024xf32> to vector<1024x1024xf32>
      %convert_element_type3A_51 = arith.truncf %get3A_50 : vector<1024x1024xf32> to vector<1024x1024xbf16>
      %swap3A_52 = arith.constant 0 : index
      %swap3A_53 = arith.constant 0 : index
      %swap3A_54 = vector.load %arg6[%swap3A_52, %swap3A_53] : memref<1024x1024xbf16, #tpu.memory_space<vmem>>, vector<1024x1024xbf16>
      tpu.vector_store %arg6[%swap3A_52, %swap3A_53], %convert_element_type3A_51 {strides = array<i32>} : memref<1024x1024xbf16, #tpu.memory_space<vmem>>, vector<1024x1024xbf16>,
      %get3A_55 = arith.constant 0 : index
      %get3A_56 = arith.constant 0 : index
      %get3A_57 = arith.constant 0 : index
      %get3A_58 = vector.load %arg4[%get3A_55, %get3A_56, %get3A_57] : memref<1x512x1024xf32, #tpu.memory_space<vmem>>, vector<1x512x1024xf32>
      %get3A_59 = vector.shape_cast %get3A_58 : vector<1x512x1024xf32> to vector<512x1024xf32>
      %convert_element_type3A_60 = arith.truncf %get3A_59 : vector<512x1024xf32> to vector<512x1024xbf16>
      %swap3A_61 = arith.constant 0 : index
      %swap3A_62 = arith.constant 0 : index
      %swap3A_63 = vector.load %arg7[%swap3A_61, %swap3A_62] : memref<512x1024xbf16, #tpu.memory_space<vmem>>, vector<512x1024xbf16>
      tpu.vector_store %arg7[%swap3A_61, %swap3A_62], %convert_element_type3A_60 {strides = array<i32>} : memref<512x1024xbf16, #tpu.memory_space<vmem>>, vector<512x1024xbf16>,
    } else {
    }
    %get3A_7 = arith.constant 0 : index
    %get3A_8 = arith.constant 0 : index
    %get3A_9 = vector.load %arg2[%get3A_7, %get3A_8] : memref<128x512xi32, #tpu.memory_space<vmem>>, vector<128x512xi32>
    %shift_left3A = arith.constant 16 : i32
    %shift_left3A_10 = vector.broadcast %shift_left3A : i32 to vector<128x512xi32>
    %shift_left3A_11 = arith.shli %get3A_9, %shift_left3A_10 : vector<128x512xi32>
    %bitcast_convert_type3A = tpu.bitcast %shift_left3A_11 : vector<128x512xi32> -> vector<128x512xf32>
    %and3A = arith.constant -65536 : i32
    %and3A_12 = vector.broadcast %and3A : i32 to vector<128x512xi32>
    %and3A_13 = arith.andi %get3A_9, %and3A_12 : vector<128x512xi32>
    %bitcast_convert_type3A_14 = tpu.bitcast %and3A_13 : vector<128x512xi32> -> vector<128x512xf32>
    %concatenate3A = tpu.concatenate %bitcast_convert_type3A, %bitcast_convert_type3A_14 in 1 : vector<128x512xf32>, vector<128x512xf32> -> vector<128x1024xf32>
    %convert_element_type3A_15 = arith.truncf %concatenate3A : vector<128x1024xf32> to vector<128x1024xbf16>
    %get3A_16 = arith.constant 0 : index
    %get3A_17 = arith.constant 0 : index
    %get3A_18 = vector.load %arg6[%get3A_16, %get3A_17] : memref<1024x1024xbf16, #tpu.memory_space<vmem>>, vector<1024x1024xbf16>
    %dot_general3A = arith.constant dense<0.000000e+00> : vector<128x1024xf32>
    %dot_general3A_19 = tpu.matmul %convert_element_type3A_15, %get3A_18, %dot_general3A {dimension_numbers = #tpu.dot_dimension_numbers<[1], [0], [0], [1], [0, 0, 1, 1], [], []>, transpose_lhs_hint = false} : vector<128x1024xbf16>, vector<1024x1024xbf16>, vector<128x1024xf32> -> vector<128x1024xf32>
    %slice3A = vector.extract_strided_slice %dot_general3A_19 {offsets = [0, 0], sizes = [128, 512], strides = [1, 1]} : vector<128x1024xf32> to vector<128x512xf32>
    %slice3A_20 = vector.extract_strided_slice %dot_general3A_19 {offsets = [0, 512], sizes = [128, 512], strides = [1, 1]} : vector<128x1024xf32> to vector<128x512xf32>
    %logistic3A = arith.negf %slice3A : vector<128x512xf32>
    %logistic3A_21 = math.exp %logistic3A : vector<128x512xf32>
    %logistic3A_22 = arith.constant 1.000000e+00 : f32
    %logistic3A_23 = vector.broadcast %logistic3A_22 : f32 to vector<128x512xf32>
    %logistic3A_24 = arith.addf %logistic3A_23, %logistic3A_21 : vector<128x512xf32>
    %logistic3A_25 = arith.divf %logistic3A_23, %logistic3A_24 : vector<128x512xf32>
    %mul3A = arith.mulf %slice3A, %logistic3A_25 : vector<128x512xf32>
    %mul3A_26 = arith.mulf %mul3A, %slice3A_20 : vector<128x512xf32>
    %convert_element_type3A_27 = arith.truncf %mul3A_26 : vector<128x512xf32> to vector<128x512xbf16>
    %get3A_28 = arith.constant 0 : index
    %get3A_29 = arith.constant 0 : index
    %get3A_30 = vector.load %arg7[%get3A_28, %get3A_29] : memref<512x1024xbf16, #tpu.memory_space<vmem>>, vector<512x1024xbf16>
    %dot_general3A_31 = arith.constant dense<0.000000e+00> : vector<128x1024xf32>
    %dot_general3A_32 = tpu.matmul %convert_element_type3A_27, %get3A_30, %dot_general3A_31 {dimension_numbers = #tpu.dot_dimension_numbers<[1], [0], [0], [1], [0, 0, 1, 1], [], []>, transpose_lhs_hint = false} : vector<128x512xbf16>, vector<512x1024xbf16>, vector<128x1024xf32> -> vector<128x1024xf32>
    %convert_element_type3A_33 = arith.truncf %dot_general3A_32 : vector<128x1024xf32> to vector<128x1024xbf16>
    %convert_element_type3A_34 = arith.extf %convert_element_type3A_33 : vector<128x1024xbf16> to vector<128x1024xf32>
    %bitcast_convert_type3A_35 = tpu.bitcast %convert_element_type3A_34 : vector<128x1024xf32> -> vector<128x1024xi32>
    %slice3A_36 = vector.extract_strided_slice %bitcast_convert_type3A_35 {offsets = [0, 0], sizes = [128, 512], strides = [1, 1]} : vector<128x1024xi32> to vector<128x512xi32>
    %shift_right_logical3A = arith.constant 16 : i32
    %shift_right_logical3A_37 = vector.broadcast %shift_right_logical3A : i32 to vector<128x512xi32>
    %shift_right_logical3A_38 = arith.shrui %slice3A_36, %shift_right_logical3A_37 : vector<128x512xi32>
    %slice3A_39 = vector.extract_strided_slice %bitcast_convert_type3A_35 {offsets = [0, 512], sizes = [128, 512], strides = [1, 1]} : vector<128x1024xi32> to vector<128x512xi32>
    %and3A_40 = arith.constant -65536 : i32
    %and3A_41 = vector.broadcast %and3A_40 : i32 to vector<128x512xi32>
    %and3A_42 = arith.andi %slice3A_39, %and3A_41 : vector<128x512xi32>
    %or3A_43 = arith.ori %and3A_42, %shift_right_logical3A_38 : vector<128x512xi32>
    %swap3A = arith.constant 0 : index
    %swap3A_44 = arith.constant 0 : index
    %swap3A_45 = vector.load %arg5[%swap3A, %swap3A_44] : memref<128x512xi32, #tpu.memory_space<vmem>>, vector<128x512xi32>
    tpu.vector_store %arg5[%swap3A, %swap3A_44], %or3A_43 {strides = array<i32>} : memref<128x512xi32, #tpu.memory_space<vmem>>, vector<128x512xi32>,
    return
  }
  func.func @transform_0(%arg0: i32, %arg1: memref<40xi32, #tpu.memory_space<smem>>) -> (i32, i32) {
    %c0_i32 = arith.constant 0 : i32
    %c0_i32_0 = arith.constant 0 : i32
    return %arg0, %c0_i32 : i32, i32
  }
  func.func @transform_1(%arg0: i32, %arg1: memref<40xi32, #tpu.memory_space<smem>>) -> (i32, i32, i32) {
    %get3A = arith.index_cast %arg0 : i32 to index
    %get3A_0 = memref.load %arg1[%get3A] : memref<40xi32, #tpu.memory_space<smem>>
    %c0_i32 = arith.constant 0 : i32
    %c0_i32_1 = arith.constant 0 : i32
    %c0_i32_2 = arith.constant 0 : i32
    return %get3A_0, %c0_i32, %c0_i32_1 : i32, i32, i32
  }
  func.func @transform_2(%arg0: i32, %arg1: memref<40xi32, #tpu.memory_space<smem>>) -> (i32, i32, i32) {
    %get3A = arith.index_cast %arg0 : i32 to index
    %get3A_0 = memref.load %arg1[%get3A] : memref<40xi32, #tpu.memory_space<smem>>
    %c0_i32 = arith.constant 0 : i32
    %c0_i32_1 = arith.constant 0 : i32
    %c0_i32_2 = arith.constant 0 : i32
    return %get3A_0, %c0_i32, %c0_i32_1 : i32, i32, i32
  }
  func.func @transform_3(%arg0: i32, %arg1: memref<40xi32, #tpu.memory_space<smem>>) -> (i32, i32) {
    %c0_i32 = arith.constant 0 : i32
    %c0_i32_0 = arith.constant 0 : i32
    return %arg0, %c0_i32 : i32, i32
  }
}

module attributes {stable_mosaic.version = 14 : i64} {
  func.func @_combine_kernel(%arg0: i32, %arg1: memref<2x256x512xi32, #tpu.memory_space<vmem>>, %arg2: memref<256x1024xf32, #tpu.memory_space<vmem>>, %arg3: memref<256x128xf32, #tpu.memory_space<vmem>>, %arg4: memref<256x128xf32, #tpu.memory_space<vmem>>, %arg5: memref<256x1024xf32, #tpu.memory_space<vmem>>) attributes {dimension_semantics = [#tpu.dimension_semantics<arbitrary>], iteration_bounds = array<i64: 8>, scalar_prefetch = 0 : i64, scratch_operands = 0 : i64, tpu.core_type = #tpu.core_type<tc>, window_params = [{transform_indices = @transform_0, window_bounds = array<i64: 2, 256, 512>}, {transform_indices = @transform_1, window_bounds = array<i64: 256, 1024>}, {transform_indices = @transform_2, window_bounds = array<i64: 256, 128>}, {transform_indices = @transform_3, window_bounds = array<i64: 256, 128>}, {transform_indices = @transform_4, window_bounds = array<i64: 256, 1024>}]} {
    %get3A = arith.constant 0 : index
    %get3A_0 = arith.constant 0 : index
    %get3A_1 = vector.load %arg3[%get3A, %get3A_0] : memref<256x128xf32, #tpu.memory_space<vmem>>, vector<256x1xf32>
    %get3A_2 = arith.constant 0 : index
    %get3A_3 = arith.constant 0 : index
    %get3A_4 = arith.constant 0 : index
    %get3A_5 = vector.load %arg1[%get3A_2, %get3A_3, %get3A_4] : memref<2x256x512xi32, #tpu.memory_space<vmem>>, vector<1x256x512xi32>
    %get3A_6 = vector.shape_cast %get3A_5 : vector<1x256x512xi32> to vector<256x512xi32>
    %shift_left3A = arith.constant 16 : i32
    %shift_left3A_7 = vector.broadcast %shift_left3A : i32 to vector<256x512xi32>
    %shift_left3A_8 = arith.shli %get3A_6, %shift_left3A_7 : vector<256x512xi32>
    %bitcast_convert_type3A = tpu.bitcast %shift_left3A_8 : vector<256x512xi32> -> vector<256x512xf32>
    %and3A = arith.constant -65536 : i32
    %and3A_9 = vector.broadcast %and3A : i32 to vector<256x512xi32>
    %and3A_10 = arith.andi %get3A_6, %and3A_9 : vector<256x512xi32>
    %bitcast_convert_type3A_11 = tpu.bitcast %and3A_10 : vector<256x512xi32> -> vector<256x512xf32>
    %concatenate3A = tpu.concatenate %bitcast_convert_type3A, %bitcast_convert_type3A_11 in 1 : vector<256x512xf32>, vector<256x512xf32> -> vector<256x1024xf32>
    %mul3A = vector.broadcast %get3A_1 : vector<256x1xf32> to vector<256x1024xf32>
    %mul3A_12 = arith.mulf %mul3A, %concatenate3A : vector<256x1024xf32>
    %get3A_13 = arith.constant 0 : index
    %get3A_14 = arith.constant 0 : index
    %get3A_15 = vector.load %arg4[%get3A_13, %get3A_14] : memref<256x128xf32, #tpu.memory_space<vmem>>, vector<256x1xf32>
    %get3A_16 = arith.constant 1 : index
    %get3A_17 = arith.constant 0 : index
    %get3A_18 = arith.constant 0 : index
    %get3A_19 = vector.load %arg1[%get3A_16, %get3A_17, %get3A_18] : memref<2x256x512xi32, #tpu.memory_space<vmem>>, vector<1x256x512xi32>
    %get3A_20 = vector.shape_cast %get3A_19 : vector<1x256x512xi32> to vector<256x512xi32>
    %shift_left3A_21 = arith.constant 16 : i32
    %shift_left3A_22 = vector.broadcast %shift_left3A_21 : i32 to vector<256x512xi32>
    %shift_left3A_23 = arith.shli %get3A_20, %shift_left3A_22 : vector<256x512xi32>
    %bitcast_convert_type3A_24 = tpu.bitcast %shift_left3A_23 : vector<256x512xi32> -> vector<256x512xf32>
    %and3A_25 = arith.constant -65536 : i32
    %and3A_26 = vector.broadcast %and3A_25 : i32 to vector<256x512xi32>
    %and3A_27 = arith.andi %get3A_20, %and3A_26 : vector<256x512xi32>
    %bitcast_convert_type3A_28 = tpu.bitcast %and3A_27 : vector<256x512xi32> -> vector<256x512xf32>
    %concatenate3A_29 = tpu.concatenate %bitcast_convert_type3A_24, %bitcast_convert_type3A_28 in 1 : vector<256x512xf32>, vector<256x512xf32> -> vector<256x1024xf32>
    %mul3A_30 = vector.broadcast %get3A_15 : vector<256x1xf32> to vector<256x1024xf32>
    %mul3A_31 = arith.mulf %mul3A_30, %concatenate3A_29 : vector<256x1024xf32>
    %add3A = arith.addf %mul3A_12, %mul3A_31 : vector<256x1024xf32>
    %get3A_32 = arith.constant 0 : index
    %get3A_33 = arith.constant 0 : index
    %get3A_34 = vector.load %arg2[%get3A_32, %get3A_33] : memref<256x1024xf32, #tpu.memory_space<vmem>>, vector<256x1024xf32>
    %add3A_35 = arith.addf %add3A, %get3A_34 : vector<256x1024xf32>
    %swap3A = arith.constant 0 : index
    %swap3A_36 = arith.constant 0 : index
    %swap3A_37 = vector.load %arg5[%swap3A, %swap3A_36] : memref<256x1024xf32, #tpu.memory_space<vmem>>, vector<256x1024xf32>
    tpu.vector_store %arg5[%swap3A, %swap3A_36], %add3A_35 {strides = array<i32>} : memref<256x1024xf32, #tpu.memory_space<vmem>>, vector<256x1024xf32>,
    return
  }
  func.func @transform_0(%arg0: i32) -> (i32, i32, i32) {
    %c0_i32 = arith.constant 0 : i32
    %c0_i32_0 = arith.constant 0 : i32
    %c0_i32_1 = arith.constant 0 : i32
    return %c0_i32, %arg0, %c0_i32_0 : i32, i32, i32
  }
  func.func @transform_1(%arg0: i32) -> (i32, i32) {
    %c0_i32 = arith.constant 0 : i32
    %c0_i32_0 = arith.constant 0 : i32
    return %arg0, %c0_i32 : i32, i32
  }
  func.func @transform_2(%arg0: i32) -> (i32, i32) {
    %c0_i32 = arith.constant 0 : i32
    %c0_i32_0 = arith.constant 0 : i32
    return %arg0, %c0_i32 : i32, i32
  }
  func.func @transform_3(%arg0: i32) -> (i32, i32) {
    %c0_i32 = arith.constant 0 : i32
    %c0_i32_0 = arith.constant 0 : i32
    return %arg0, %c0_i32 : i32, i32
  }
  func.func @transform_4(%arg0: i32) -> (i32, i32) {
    %c0_i32 = arith.constant 0 : i32
    %c0_i32_0 = arith.constant 0 : i32
    return %arg0, %c0_i32 : i32, i32
  }
}

</mosaic_0001>

<sc_bundles>
// kernel: kernel.11.cloned.1.call-start
scs
__scs_entry_jumppad:
0x0: {  	(pc) =	sbr.rel $0x88, $3  }
0x1: {  	(tag) =	ssettag $0x0;
	lr =	simm.s32 $0x1  }
0x2: {  	[smem:$0x3F9B] =	sst lr;
	_ =	strace $0xD0000000  }
0x3: {  	_ = 	snop  }
0x4: {  	_ = 	snop  }
0x5: {  	_ = 	snop  }
0x6: {  	_ = 	snop  }
0x7: {  	_ = 	snop  }
__scs_overlays_trampoline_lowered:
0x8: {  	[smem:$0x3FAA] =	sst s0  }
0x9: {  	[smem:$0x3FAB] =	sst s1  }
0xa: {  	[smem:$0x3FAC] =	sst s2  }
0xb: {  	[smem:$0x3FAD] =	sst s3  }
0xc: {  	[smem:$0x3FAE] =	sst s4  }
0xd: {  	[smem:$0x3FAF] =	sst s5  }
0xe: {  	[smem:$0x3FB0] =	sst s6  }
0xf: {  	[smem:$0x3FB1] =	sst s7  }
0x10: {  	[smem:$0x3FB2] =	sst s8  }
0x11: {  	[smem:$0x3FB3] =	sst s9;
	s0 =	simm.s32 @!p0 $0x0  }
0x12: {  	s1 =	sld [smem:$0x3F99];
	s0 =	simm.s32 @p0 $0x1  }
0x13: {  	[smem:$0x3FB4] =	sst s0;
	s0 =	simm.s32 @!p1 $0x0  }
0x14: {  	s2 =	sld [smem:$0x3F98];
	s0 =	simm.s32 @p1 $0x1  }
0x15: {  	[smem:$0x3FB5] =	sst s0;
	s0 =	simm.s32 @!p2 $0x0  }
0x16: {  	s3 =	sld [smem:$0x3FDB];
	s0 =	simm.s32 @p2 $0x1  }
0x17: {  	s4 =	simm.s32 $0x1BF5;
	[smem:$0x3FB7] =	sst s0  }
0x18: {  	s0 =	sld [smem:$0x3F9A];
	_ =	swait.ge [sflag:s4], $0x0  }
0x19: {  	s7 =	sld [smem:$0x3F9B]  }
0x1a: {  	s8 =	sadd.s32 $0xFFFFE003, lr  }
0x1b: {  	s9 =	sadd.s32 $0xFFFFFEF7, lr;
	s5 =	simm.s32 $0xFFFFFFFF;
	p2 =	slt.u32 s8, $0xFFFFF086  }
0x1c: {  	p1 =	slt.u32 s9, $0xF7A;
	s5 =	simm.s32 @!p2 $0x0  }
0x1d: {  	s5 =	simm.s32 @p1 $0x1;
	p0 =	seq.s32 s7, s2  }
0x1e: {  	s7 =	smul.u32 @!p0 $0xF7A, s2;
	p2 =	seq.s32 @!p0 s5, $0x0  }
0x1f: {  	s9 =	smul.u32 $0xF7A, s1;
	s8 =	simm.s32 @!p0 $0x1BF5;
	p2 =	por !p2, p0  }
0x20: {  	[sflag:s8] =	ssyncset.s32 @!p0 $0xFFFFF086;
	s6 =	sadd.s32 @!p0 s3, s7;
	s7 =	simm.s32 @!p0 $0x108  }
0x21: {  	s3 =	sadd.s32 s3, s9;
	s6 =	sadd.s32 @!p0 $0x88, s6;
	s7 =	simm.s32 @p2 $0x1082  }
0x22: {  	[simem:s7], [sflag:s8] =	dma.local @!p0 [hbm:s6], $0xF7A  }
0x23: {  	s9 =	sor.u32 $0xD0000000, s2;
	s6 =	simm.s32 $0x108;
	_ =	swait.ge @!p0 [sflag:s8], $0x0  }
0x24: {  	s3 =	sadd.s32 $0x88, s3;
	s6 =	simm.s32 @!p1 $0x1082;
	[sflag:s4] =	ssyncset.s32 $0xFFFFF086  }
0x25: {  	[simem:s6], [sflag:s4] =	dma.local [hbm:s3], $0xF7A  }
0x26: {  	[smem:$0x3F9B] =	sst s1;
	(tag) =	ssettag s2;
	_ =	strace s9  }
0x27: {  	s1 =	sld [smem:$0x3FAB]  }
0x28: {  	s2 =	sld [smem:$0x3FAC]  }
0x29: {  	s4 =	sld [smem:$0x3FAE]  }
0x2a: {  	p0 =	seq.s32 s5, $0x0;
	s5 =	sld [smem:$0x3FAF]  }
0x2b: {  	s6 =	sld [smem:$0x3FB0]  }
0x2c: {  	s7 =	sld [smem:$0x3FB1]  }
0x2d: {  	s3 =	simm.s32 $0x108;
	s8 =	sld [smem:$0x3FB2]  }
0x2e: {  	s3 =	simm.s32 @!p0 $0x1082;
	s9 =	sld [smem:$0x3FB3]  }
0x2f: {  	lr =	sadd.s32 s0, s3;
	s0 =	sld [smem:$0x3FAA]  }
0x30: {  	s3 =	sld [smem:$0x3FAD]  }
0x31: {  	[smem:$0x3FB6] =	sst s10  }
0x32: {  	s10 =	sld [smem:$0x3FB4];
	_ =	sdelay $0x3  }
0x33: {  	p0 =	seq.s32 s10, $0x1;
	s10 =	sld [smem:$0x3FB6];
	_ =	sdelay $0x3  }
0x34: {  	[smem:$0x3FB6] =	sst s10  }
0x35: {  	s10 =	sld [smem:$0x3FB5];
	_ =	sdelay $0x3  }
0x36: {  	p1 =	seq.s32 s10, $0x1;
	s10 =	sld [smem:$0x3FB6];
	_ =	sdelay $0x3  }
0x37: {  	[smem:$0x3FB6] =	sst s10  }
0x38: {  	s10 =	sld [smem:$0x3FB7]  }
0x39: {  	_ = 	snop;
	(pc) =	sbr.ind lr, $3  }
0x3a: {  	_ = 	snop  }
0x3b: {  	_ = 	snop  }
0x3c: {  	p2 =	seq.s32 s10, $0x1;
	s10 =	sld [smem:$0x3FB6]  }
0x3d: {  	_ =	shalt  }
0x3e: {  	_ =	shalt  }
0x3f: {  	_ =	shalt  }
0x40: {  	_ =	shalt  }
0x41: {  	_ =	shalt  }
0x42: {  	_ =	shalt  }
0x43: {  	_ =	shalt  }
0x44: {  	_ =	shalt  }
0x45: {  	_ =	shalt  }
0x46: {  	_ =	shalt  }
0x47: {  	_ =	shalt  }
0x48: {  	_ =	shalt  }
0x49: {  	_ =	shalt  }
0x4a: {  	_ =	shalt  }
0x4b: {  	_ =	shalt  }
0x4c: {  	_ =	shalt  }
0x4d: {  	_ =	shalt  }
0x4e: {  	_ =	shalt  }
0x4f: {  	_ =	shalt  }
0x50: {  	_ =	shalt  }
0x51: {  	_ =	shalt  }
0x52: {  	_ =	shalt  }
0x53: {  	_ =	shalt  }
0x54: {  	_ =	shalt  }
0x55: {  	_ =	shalt  }
0x56: {  	_ =	shalt  }
0x57: {  	_ =	shalt  }
0x58: {  	_ =	shalt  }
0x59: {  	_ =	shalt  }
0x5a: {  	_ =	shalt  }
0x5b: {  	_ =	shalt  }
0x5c: {  	_ =	shalt  }
0x5d: {  	_ =	shalt  }
0x5e: {  	_ =	shalt  }
0x5f: {  	_ =	shalt  }
0x60: {  	_ =	shalt  }
0x61: {  	_ =	shalt  }
0x62: {  	_ =	shalt  }
0x63: {  	_ =	shalt  }
0x64: {  	_ =	shalt  }
0x65: {  	_ =	shalt  }
0x66: {  	_ =	shalt  }
0x67: {  	_ =	shalt  }
0x68: {  	_ =	shalt  }
0x69: {  	_ =	shalt  }
0x6a: {  	_ =	shalt  }
0x6b: {  	_ =	shalt  }
0x6c: {  	_ =	shalt  }
0x6d: {  	_ =	shalt  }
0x6e: {  	_ =	shalt  }
0x6f: {  	_ =	shalt  }
0x70: {  	_ =	shalt  }
0x71: {  	_ =	shalt  }
0x72: {  	_ =	shalt  }
0x73: {  	_ =	shalt  }
0x74: {  	_ =	shalt  }
0x75: {  	_ =	shalt  }
0x76: {  	_ =	shalt  }
0x77: {  	_ =	shalt  }
0x78: {  	_ =	shalt  }
0x79: {  	_ =	shalt  }
0x7a: {  	_ =	shalt  }
0x7b: {  	_ =	shalt  }
0x7c: {  	_ =	shalt  }
0x7d: {  	_ =	shalt  }
0x7e: {  	_ =	shalt  }
0x7f: {  	_ =	shalt  }
0x80: {  	_ =	shalt  }
0x81: {  	_ =	shalt  }
0x82: {  	_ =	shalt  }
0x83: {  	_ =	shalt  }
0x84: {  	_ =	shalt  }
0x85: {  	_ =	shalt  }
0x86: {  	_ =	shalt  }
0x87: {  	_ =	shalt  }
.Lfunc_end0:
.L_simem_size_0:
called_computation.1_lowered:
.L_overlay_start_0:
0x88: {  	s2 =	sld [smem:$0x3FD9]  }
0x89: {  	s3 =	sld [smem:$0x3FFE];
	_ =	sdelay $0x1  }
0x8a: {  	s1 =	srdreg.scid  }
0x8b: {  	s0 =	sand.u32 $0x1, s1  }
0x8c: {  	s17 =	sshll.u32 s0, $0xA;
	s2 =	sadd.s32 s3, s2  }
0x8d: {  	s2 =	sadd.s32 s2, s17  }
0x8e: {  	[smem:$0x3FC2] =	sst s2  }
0x8f: {  	_ = 	snop  }
0x90: {  	s2 =	sld [smem:$0x3FD0];
	(tm) =	ssettm $0x1  }
0x91: {  	s18 =	sld [smem:$0x3FFB];
	_ =	sdelay $0x3  }
0x92: {  	_ =	strace s18  }
0x93: {  	s3 =	sld [smem:$0x3FFC];
	_ =	sdelay $0x3  }
0x94: {  	_ =	strace s3  }
0x95: {  	s3 =	sld [smem:$0x3FFD];
	_ =	sdelay $0x3  }
0x96: {  	_ =	strace s3  }
0x97: {  	_ =	strace $0x8FFFFFFF  }
0x98: {  	s19 =	sld [smem:$0x3FDB];
	_ =	sdelay $0x1  }
0x99: {  	s4 =	simm.s32 $_scs_section_size  }
0x9a: {  	s5 =	simm.s32 $_size__tile_overlayer_lowered;
	s6 =	simm.s32 $_tile_overlayer_lowered  }
0x9b: {  	s22 =	simm.s32 $0x1BFF;
	s21 =	sshll.u32 s6, $0x1;
	s3 =	sadd.s32 s4, s19  }
0x9c: {  	s7 =	simm.s32 $0x0;
	s20 =	sshll.u32 s5, $0x1;
	s5 =	sadd.s32 s21, s3  }
0x9d: {  	[timem:s7], [sflag:s22] =	dma.local [hbm:s5], s20  }
0x9e: {  	_ =	swait.ge [sflag:s22], s20  }
0x9f: {  	s4 =	ssub.s32 $0x0, s20;
	[sflag:s22] =	ssyncset.done $0x0  }
0xa0: {  	[sflag:s22] =	ssyncadd.s32 s4;
	_ =	sdelay $0x1  }
0xa1: {  	s23 =	simm.s32 $0x1B8B  }
0xa2: {  	_ =	swait.ge [sflag:s23], $0x1  }
0xa3: {  	[sflag:s23] =	ssyncset.done $0x0  }
0xa4: {  	s25 =	simm.s32 $0x1B8E;
	s24 =	sld [smem:$0x3FFE];
	[sflag:s23] =	ssyncadd.s32 $0xFFFFFFFF  }
0xa5: {  	s26 =	simm.s32 $execute0_lowered;
	[smem:$0x3FD2] =	sst s25  }
0xa6: {  	s5 =	sshll.u32 s26, $0x1;
	_ =	strace $0x80000049;
	[dreg:$0x1] =	wrdreg $0xFFFFFFFF  }
0xa7: {  	s28 =	simm.s32 $_size_execute0_lowered;
	s3 =	sadd.s32 s3, s5;
	[dreg:$0x0] =	wrdreg $0x0  }
0xa8: {  	s5 =	sshll.u32 s28, $0x1;
	[dreg:$0x2] =	wrdreg s3  }
0xa9: {  	[dreg:$0x3] =	wrdreg s5  }
0xaa: {  	[dreg:$0x4] =	wrdreg $0xC0  }
0xab: {  	_ =	task [dreg:s7], $0x5FFFF  }
0xac: {  	[dreg:$0x1] =	wrdreg $0xFFFFFFFF  }
0xad: {  	[dreg:$0x0] =	wrdreg $0x60  }
0xae: {  	[dreg:$0x2] =	wrdreg s24  }
0xaf: {  	[dreg:$0x3] =	wrdreg s2  }
0xb0: {  	[dreg:$0x4] =	wrdreg $0x9  }
0xb1: {  	_ =	task.clear_ibuf [dreg:s7], $0x5FFFF;
	_ =	strace $0x90000049  }
0xb2: {  	s29 =	simm.s32 $0x9;
	_ =	strace $0x8000004B  }
0xb3: {  	_ =	swait.ge [sflag:s29], $0x1  }
0xb4: {  	[sflag:s29] =	ssyncadd.s32 $0xFFFFFFFF  }
0xb5: {  	_ =	strace $0x9000004B  }
0xb6: {  	_ =	sfence  }
0xb7: {  	s30 =	sld [smem:$0x0];
	_ =	sdelay $0x2  }
0xb8: {  	s31 =	sshll.u32 s1, $0xD;
	s1 =	sshrl.u32 s1, $0x2  }
0xb9: {  	s3 =	sand.u32 $0x4000, s31;
	s1 =	sadd.s32 s1, s30  }
0xba: {  	s0 =	sor.u32 s3, s0;
	s1 =	sshll.u32 s1, $0x11  }
0xbb: {  	s0 =	sor.u32 s1, s0  }
0xbc: {  	s0 =	sadd.s32 $0x8F2B, s0  }
0xbd: {  	[sflag:s0] =	ssyncadd.remote.s32 $0x1  }
0xbe: {  	_ =	sfence.sel $0xFFFF  }
0xbf: {  	[dreg:$0x0] =	wrdreg $0xFFFFFFFF;
	(pc) =	sbr.abs _section_cstart, $3  }
0xc0: {  	[dreg:$0x1] =	wrdreg $0xFFFFFFFF  }
0xc1: {  	_ =	task.clear_ibuf [dreg:s7], $0x2FFFF;
	_ =	strace $0x9FFFFFFF  }
0xc2: {  	(tm) =	ssettm $0x7FFFFFFF  }
0xc3: {  	_ =	shalt  }
tec
execute0_lowered:
.L_overlay_start_1:
0x0: {  	(tag) =	ssettag $0x1  }
0x1: {  	s2 =	rddreg [dreg:$0x0]  }
0x2: {  	s4 =	rddreg [dreg:$0x1];
	s5 =	srdreg.scid  }
0x3: {  	s1 =	stileid.u32;
	s3 =	simm.s32 $0x0;
	s10 =	simm.s32 $0x5  }
0x4: {  	s11 =	simm.s32 $0x200;
	s12 =	simm.s32 $0xA00;
	s13 =	simm.s32 $0x1200  }
0x5: {  	s14 =	simm.s32 $0x1A00;
	s15 =	simm.s32 $0x2200;
	s16 =	simm.s32 $0x2A00  }
0x6: {  	s17 =	simm.s32 $0x3200;
	s18 =	simm.s32 $0x3A00;
	s19 =	simm.s32 $0x4200  }
0x7: {  	s20 =	simm.s32 $0x4A00;
	s21 =	simm.s32 $0x5200;
	s22 =	simm.s32 $0x5A00  }
0x8: {  	s23 =	simm.s32 $0x6200;
	s24 =	simm.s32 $0x6A00;
	s25 =	simm.s32 $0x7200  }
0x9: {  	s28 =	simm.s32 $0x1;
	s29 =	simm.s32 $0x3;
	s30 =	simm.s32 $0x2  }
0xa: {  	s31 =	simm.s32 $0x4;
	s5 =	sand.u32 $0x1, s5;
	s6 =	sshll.u32 s1, $0x1  }
0xb: {  	[smem:$0x7FF] =	sst s3;
	s6 =	sor.u32 s5, s6;
	s5 =	ssub.s32 $0x2, s5  }
0xc: {  	_ =	strace $0x8000004A;
	s7 =	sshll.u32 s6, $0x6;
	s8 =	sshrl.u32 s5, $0x1  }
0xd: {  	s6 =	sshll.u32 s6, $0xD;
	s7 =	sadd.s32 s7, s2;
	s9 =	ssub.s32 s5, s8  }
0xe: {  	v2 =	vlaneseq.u32;
	s4 =	sadd.s32 s4, s6;
	s5 =	sadd.s32 $0x100, s2;
	s26 =	sadd.s32 $0x50400, s7  }
0xf: {  	vm0 =	vmmov $0xffff;
	v1 =	vshrl.u32 v2, $0x3;
	s6 =	sadd.s32 $0x800, s4;
	s7 =	sadd.s32 $0x1000, s4;
	s8 =	sadd.s32 $0x1800, s4  }
0x10: {  	v0 =	vand.u32 $0x7, v2;
	v2 =	vor.u32 $0x8, v2;
	v1 =	vmul.u32 $0x8, v1;
	s9 =	smax.u32 s9, $0x1;
	[dreg:$0x3] =	wrdreg s26;
	s26 =	simm.s32 $0x7A00  }
.LBB2_1:
0x11: {  	s0 =	rddreg [dreg:$0x3]  }
0x12: {  	[tilespmem:s3], [sflag:$0x5] =	stream.linear.gather [hbm4b:s0+s3], $0x200, $0x38;
	[tilespmem:$0x8200] =	vst v63  }
0x13: {  	_ =	swait.ge [sflag:s10], $0x200  }
0x14: {  	[sflag:s10] =	ssyncset.done $0x0  }
0x15: {  	[sflag:s10] =	ssyncadd.s32 $0xFFFFFE00  }
0x16: {  	v3 =	vld [tilespmem:$0x0];
	_ =	sdelay $0x4  }
0x17: {  	v4 =	vshll.u32 v3, $0x2  }
0x18: {  	v3 =	vand.u32 $0x7, v3;
	v4 =	vand.u32 $0xFFFFFFE0, v4  }
0x19: {  	v3 =	vor.u32 v3, v4  }
0x1a: {  	v4 =	vperm.xlane v3, v0;
	_ =	sdelay $0x1  }
0x1b: {  	v4 =	vadd.s32 v1, v4;
	_ =	sdelay $0x1  }
0x1c: {  	v3 =	vperm.xlane v3, v2;
	_ =	sdelay $0x1  }
0x1d: {  	v3 =	vadd.s32 v1, v3  }
0x1e: {  	[tilespmem:s11], [sflag:$0x1] =	stream.indirect_vreg.gather [hbm4b:s2+s3], $0x80, v4, vm0, $0xb8;
	[tilespmem:$0x8200] =	vst v63  }
0x1f: {  	_ = 	snop  }
0x20: {  	[tilespmem:s12], [sflag:$0x1] =	stream.indirect_vreg.gather [hbm4b:s5+s3], $0x80, v4, vm0, $0xb8;
	[tilespmem:$0x8200] =	vst v63  }
0x21: {  	_ = 	snop  }
0x22: {  	[tilespmem:s13], [sflag:$0x1] =	stream.indirect_vreg.gather [hbm4b:s2+s3], $0x80, v3, vm0, $0xb8;
	[tilespmem:$0x8200] =	vst v63  }
0x23: {  	_ = 	snop  }
0x24: {  	[tilespmem:s14], [sflag:$0x1] =	stream.indirect_vreg.gather [hbm4b:s5+s3], $0x80, v3, vm0, $0xb8;
	[tilespmem:$0x8200] =	vst v63  }
0x25: {  	v3 =	vld [tilespmem:$0x10];
	_ =	sdelay $0x4  }
0x26: {  	v57 =	vshll.u32 v3, $0x2  }
0x27: {  	v3 =	vand.u32 $0x7, v3;
	v4 =	vand.u32 $0xFFFFFFE0, v57  }
0x28: {  	v3 =	vor.u32 v3, v4  }
0x29: {  	v4 =	vperm.xlane v3, v0;
	_ =	sdelay $0x1  }
0x2a: {  	v4 =	vadd.s32 v1, v4;
	_ =	sdelay $0x1  }
0x2b: {  	v3 =	vperm.xlane v3, v2;
	_ =	sdelay $0x1  }
0x2c: {  	v3 =	vadd.s32 v1, v3  }
0x2d: {  	[tilespmem:s15], [sflag:$0x1] =	stream.indirect_vreg.gather [hbm4b:s2+s3], $0x80, v4, vm0, $0xb8;
	[tilespmem:$0x8200] =	vst v63  }
0x2e: {  	_ = 	snop  }
0x2f: {  	[tilespmem:s16], [sflag:$0x1] =	stream.indirect_vreg.gather [hbm4b:s5+s3], $0x80, v4, vm0, $0xb8;
	[tilespmem:$0x8200] =	vst v63  }
0x30: {  	_ = 	snop  }
0x31: {  	[tilespmem:s17], [sflag:$0x1] =	stream.indirect_vreg.gather [hbm4b:s2+s3], $0x80, v3, vm0, $0xb8;
	[tilespmem:$0x8200] =	vst v63  }
0x32: {  	_ = 	snop  }
0x33: {  	[tilespmem:s18], [sflag:$0x1] =	stream.indirect_vreg.gather [hbm4b:s5+s3], $0x80, v3, vm0, $0xb8;
	[tilespmem:$0x8200] =	vst v63  }
0x34: {  	v3 =	vld [tilespmem:$0x80];
	_ =	sdelay $0x4  }
0x35: {  	v58 =	vshll.u32 v3, $0x2  }
0x36: {  	v3 =	vand.u32 $0x7, v3;
	v4 =	vand.u32 $0xFFFFFFE0, v58  }
0x37: {  	v3 =	vor.u32 v3, v4  }
0x38: {  	v4 =	vperm.xlane v3, v0;
	_ =	sdelay $0x1  }
0x39: {  	v4 =	vadd.s32 v1, v4;
	_ =	sdelay $0x1  }
0x3a: {  	v3 =	vperm.xlane v3, v2;
	_ =	sdelay $0x1  }
0x3b: {  	v3 =	vadd.s32 v1, v3  }
0x3c: {  	[tilespmem:s19], [sflag:$0x2] =	stream.indirect_vreg.gather [hbm4b:s2+s3], $0x80, v4, vm0, $0xb8;
	[tilespmem:$0x8200] =	vst v63  }
0x3d: {  	_ = 	snop  }
0x3e: {  	[tilespmem:s20], [sflag:$0x2] =	stream.indirect_vreg.gather [hbm4b:s5+s3], $0x80, v4, vm0, $0xb8;
	[tilespmem:$0x8200] =	vst v63  }
0x3f: {  	_ = 	snop  }
0x40: {  	[tilespmem:s21], [sflag:$0x2] =	stream.indirect_vreg.gather [hbm4b:s2+s3], $0x80, v3, vm0, $0xb8;
	[tilespmem:$0x8200] =	vst v63  }
0x41: {  	_ = 	snop  }
0x42: {  	[tilespmem:s22], [sflag:$0x2] =	stream.indirect_vreg.gather [hbm4b:s5+s3], $0x80, v3, vm0, $0xb8;
	[tilespmem:$0x8200] =	vst v63  }
0x43: {  	v3 =	vld [tilespmem:$0x90];
	_ =	sdelay $0x4  }
0x44: {  	v59 =	vshll.u32 v3, $0x2  }
0x45: {  	v3 =	vand.u32 $0x7, v3;
	v4 =	vand.u32 $0xFFFFFFE0, v59  }
0x46: {  	v3 =	vor.u32 v3, v4  }
0x47: {  	v4 =	vperm.xlane v3, v0;
	_ =	sdelay $0x1  }
0x48: {  	v4 =	vadd.s32 v1, v4;
	_ =	sdelay $0x1  }
0x49: {  	v3 =	vperm.xlane v3, v2;
	_ =	sdelay $0x1  }
0x4a: {  	v3 =	vadd.s32 v1, v3  }
0x4b: {  	[tilespmem:s23], [sflag:$0x2] =	stream.indirect_vreg.gather [hbm4b:s2+s3], $0x80, v4, vm0, $0xb8;
	[tilespmem:$0x8200] =	vst v63  }
0x4c: {  	_ = 	snop  }
0x4d: {  	[tilespmem:s24], [sflag:$0x2] =	stream.indirect_vreg.gather [hbm4b:s5+s3], $0x80, v4, vm0, $0xb8;
	[tilespmem:$0x8200] =	vst v63  }
0x4e: {  	_ = 	snop  }
0x4f: {  	[tilespmem:s25], [sflag:$0x2] =	stream.indirect_vreg.gather [hbm4b:s2+s3], $0x80, v3, vm0, $0xb8;
	[tilespmem:$0x8200] =	vst v63  }
0x50: {  	_ = 	snop  }
0x51: {  	[tilespmem:s26], [sflag:$0x2] =	stream.indirect_vreg.gather [hbm4b:s5+s3], $0x80, v3, vm0, $0xb8;
	[tilespmem:$0x8200] =	vst v63  }
0x52: {  	_ =	swait.ge [sflag:s28], $0x4000  }
0x53: {  	[sflag:s28] =	ssyncset.done $0x0  }
0x54: {  	[sflag:s28] =	ssyncadd.s32 $0xFFFFC000  }
0x55: {  	[hbm4b:s4+s3] =	stream.linear.scatter [tilespmem:s11], [sflag:$0x3], $0x4000, $0x38;
	[tilespmem:$0x8200] =	vst v63  }
0x56: {  	_ =	swait.ge [sflag:s29], $0x4000  }
0x57: {  	[sflag:s29] =	ssyncset.done $0x0  }
0x58: {  	[sflag:s29] =	ssyncadd.s32 $0xFFFFC000  }
0x59: {  	v3 =	vld [tilespmem:$0x100];
	_ =	sdelay $0x4  }
0x5a: {  	v60 =	vshll.u32 v3, $0x2  }
0x5b: {  	v3 =	vand.u32 $0x7, v3;
	v4 =	vand.u32 $0xFFFFFFE0, v60  }
0x5c: {  	v3 =	vor.u32 v3, v4  }
0x5d: {  	v4 =	vperm.xlane v3, v0;
	_ =	sdelay $0x1  }
0x5e: {  	v4 =	vadd.s32 v1, v4;
	_ =	sdelay $0x1  }
0x5f: {  	v3 =	vperm.xlane v3, v2;
	_ =	sdelay $0x1  }
0x60: {  	v3 =	vadd.s32 v1, v3  }
0x61: {  	[tilespmem:s11], [sflag:$0x1] =	stream.indirect_vreg.gather [hbm4b:s2+s3], $0x80, v4, vm0, $0xb8;
	[tilespmem:$0x8200] =	vst v63  }
0x62: {  	_ = 	snop  }
0x63: {  	[tilespmem:s12], [sflag:$0x1] =	stream.indirect_vreg.gather [hbm4b:s5+s3], $0x80, v4, vm0, $0xb8;
	[tilespmem:$0x8200] =	vst v63  }
0x64: {  	_ = 	snop  }
0x65: {  	[tilespmem:s13], [sflag:$0x1] =	stream.indirect_vreg.gather [hbm4b:s2+s3], $0x80, v3, vm0, $0xb8;
	[tilespmem:$0x8200] =	vst v63  }
0x66: {  	_ = 	snop  }
0x67: {  	[tilespmem:s14], [sflag:$0x1] =	stream.indirect_vreg.gather [hbm4b:s5+s3], $0x80, v3, vm0, $0xb8;
	[tilespmem:$0x8200] =	vst v63  }
0x68: {  	v3 =	vld [tilespmem:$0x110];
	_ =	sdelay $0x4  }
0x69: {  	v61 =	vshll.u32 v3, $0x2  }
0x6a: {  	v3 =	vand.u32 $0x7, v3;
	v4 =	vand.u32 $0xFFFFFFE0, v61  }
0x6b: {  	v3 =	vor.u32 v3, v4  }
0x6c: {  	v4 =	vperm.xlane v3, v0;
	_ =	sdelay $0x1  }
0x6d: {  	v4 =	vadd.s32 v1, v4;
	_ =	sdelay $0x1  }
0x6e: {  	v3 =	vperm.xlane v3, v2;
	_ =	sdelay $0x1  }
0x6f: {  	v3 =	vadd.s32 v1, v3  }
0x70: {  	[tilespmem:s15], [sflag:$0x1] =	stream.indirect_vreg.gather [hbm4b:s2+s3], $0x80, v4, vm0, $0xb8;
	[tilespmem:$0x8200] =	vst v63  }
0x71: {  	_ = 	snop  }
0x72: {  	[tilespmem:s16], [sflag:$0x1] =	stream.indirect_vreg.gather [hbm4b:s5+s3], $0x80, v4, vm0, $0xb8;
	[tilespmem:$0x8200] =	vst v63  }
0x73: {  	_ = 	snop  }
0x74: {  	[tilespmem:s17], [sflag:$0x1] =	stream.indirect_vreg.gather [hbm4b:s2+s3], $0x80, v3, vm0, $0xb8;
	[tilespmem:$0x8200] =	vst v63  }
0x75: {  	_ = 	snop  }
0x76: {  	[tilespmem:s18], [sflag:$0x1] =	stream.indirect_vreg.gather [hbm4b:s5+s3], $0x80, v3, vm0, $0xb8;
	[tilespmem:$0x8200] =	vst v63  }
0x77: {  	_ =	swait.ge [sflag:s30], $0x4000  }
0x78: {  	[sflag:s30] =	ssyncset.done $0x0  }
0x79: {  	[sflag:s30] =	ssyncadd.s32 $0xFFFFC000  }
0x7a: {  	[hbm4b:s6+s3] =	stream.linear.scatter [tilespmem:s19], [sflag:$0x4], $0x4000, $0x38;
	[tilespmem:$0x8200] =	vst v63  }
0x7b: {  	_ =	swait.ge [sflag:s31], $0x4000  }
0x7c: {  	[sflag:s31] =	ssyncset.done $0x0  }
0x7d: {  	[sflag:s31] =	ssyncadd.s32 $0xFFFFC000  }
0x7e: {  	v3 =	vld [tilespmem:$0x180];
	_ =	sdelay $0x4  }
0x7f: {  	v62 =	vshll.u32 v3, $0x2  }
0x80: {  	v3 =	vand.u32 $0x7, v3;
	v4 =	vand.u32 $0xFFFFFFE0, v62  }
0x81: {  	v3 =	vor.u32 v3, v4  }
0x82: {  	v4 =	vperm.xlane v3, v0;
	_ =	sdelay $0x1  }
0x83: {  	v4 =	vadd.s32 v1, v4;
	_ =	sdelay $0x1  }
0x84: {  	v3 =	vperm.xlane v3, v2;
	_ =	sdelay $0x1  }
0x85: {  	v3 =	vadd.s32 v1, v3  }
0x86: {  	[tilespmem:s19], [sflag:$0x2] =	stream.indirect_vreg.gather [hbm4b:s2+s3], $0x80, v4, vm0, $0xb8;
	[tilespmem:$0x8200] =	vst v63  }
0x87: {  	_ = 	snop  }
0x88: {  	[tilespmem:s20], [sflag:$0x2] =	stream.indirect_vreg.gather [hbm4b:s5+s3], $0x80, v4, vm0, $0xb8;
	[tilespmem:$0x8200] =	vst v63  }
0x89: {  	_ = 	snop  }
0x8a: {  	[tilespmem:s21], [sflag:$0x2] =	stream.indirect_vreg.gather [hbm4b:s2+s3], $0x80, v3, vm0, $0xb8;
	[tilespmem:$0x8200] =	vst v63  }
0x8b: {  	_ = 	snop  }
0x8c: {  	[tilespmem:s22], [sflag:$0x2] =	stream.indirect_vreg.gather [hbm4b:s5+s3], $0x80, v3, vm0, $0xb8;
	[tilespmem:$0x8200] =	vst v63  }
0x8d: {  	v3 =	vld [tilespmem:$0x190];
	_ =	sdelay $0x4  }
0x8e: {  	v63 =	vshll.u32 v3, $0x2  }
0x8f: {  	v3 =	vand.u32 $0x7, v3;
	v4 =	vand.u32 $0xFFFFFFE0, v63  }
0x90: {  	v3 =	vor.u32 v3, v4  }
0x91: {  	v4 =	vperm.xlane v3, v0;
	_ =	sdelay $0x1  }
0x92: {  	v4 =	vadd.s32 v1, v4;
	_ =	sdelay $0x1  }
0x93: {  	v3 =	vperm.xlane v3, v2;
	_ =	sdelay $0x1  }
0x94: {  	v3 =	vadd.s32 v1, v3  }
0x95: {  	[tilespmem:s23], [sflag:$0x2] =	stream.indirect_vreg.gather [hbm4b:s2+s3], $0x80, v4, vm0, $0xb8;
	[tilespmem:$0x8200] =	vst v63  }
0x96: {  	_ = 	snop  }
0x97: {  	[tilespmem:s24], [sflag:$0x2] =	stream.indirect_vreg.gather [hbm4b:s5+s3], $0x80, v4, vm0, $0xb8;
	[tilespmem:$0x8200] =	vst v63  }
0x98: {  	_ = 	snop  }
0x99: {  	[tilespmem:s25], [sflag:$0x2] =	stream.indirect_vreg.gather [hbm4b:s2+s3], $0x80, v3, vm0, $0xb8;
	[tilespmem:$0x8200] =	vst v63  }
0x9a: {  	_ = 	snop  }
0x9b: {  	[tilespmem:s26], [sflag:$0x2] =	stream.indirect_vreg.gather [hbm4b:s5+s3], $0x80, v3, vm0, $0xb8;
	[tilespmem:$0x8200] =	vst v63  }
0x9c: {  	_ =	swait.ge [sflag:s28], $0x4000  }
0x9d: {  	[sflag:s28] =	ssyncset.done $0x0  }
0x9e: {  	[sflag:s28] =	ssyncadd.s32 $0xFFFFC000  }
0x9f: {  	[hbm4b:s7+s3] =	stream.linear.scatter [tilespmem:s11], [sflag:$0x3], $0x4000, $0x38;
	[tilespmem:$0x8200] =	vst v63  }
0xa0: {  	_ =	swait.ge [sflag:s30], $0x4000  }
0xa1: {  	[sflag:s30] =	ssyncset.done $0x0  }
0xa2: {  	[sflag:s30] =	ssyncadd.s32 $0xFFFFC000  }
0xa3: {  	[hbm4b:s8+s3] =	stream.linear.scatter [tilespmem:s19], [sflag:$0x4], $0x4000, $0x38;
	[tilespmem:$0x8200] =	vst v63  }
0xa4: {  	p0 =	sne.s32 s9, $0x1;
	_ =	swait.ge [sflag:s29], $0x4000  }
.Ltmp0:
0xa5: {  	[sflag:s29] =	ssyncset.done $0x0;
	(pc) =	sbr.rel @p0 .LBB2_1-.Ltmp0, $4  }
0xa6: {  	[sflag:s29] =	ssyncadd.s32 $0xFFFFC000  }
0xa7: {  	_ =	swait.ge [sflag:s31], $0x4000  }
0xa8: {  	[sflag:s31] =	ssyncset.done $0x0  }
0xa9: {  	s9 =	sadd.s32 $0xFFFFFFFF, s9;
	[sflag:s31] =	ssyncadd.s32 $0xFFFFC000  }
0xaa: {  	_ =	sfence.sel $0x180000  }
0xab: {  	[bflag:$0x0] =	sbarrier.arrive $0xFFFF  }
0xac: {  	_ =	strace $0x9000004A  }
0xad: {  	[bflag:$0x2] =	sbarrier.arrive $0xFFFF  }
0xae: {  	p0 =	sne.s32 s1, $0x0;
	s0 =	rddreg [dreg:$0x2]  }
0xaf: {  	s0 =	sadd.s32 @!p0 $0x100000, s0  }
0xb0: {  	[sflag:s0] =	ssyncadd.tile.s32 @!p0 $0x1;
	_ =	shalt  }
.Lfunc_end2:
_tile_overlayer_lowered:
.L_overlay_start_2:
0xb1: {  	(tag) =	ssettag $0x2  }
0xb2: {  	s0 =	rddreg [dreg:$0x0];
	s2 =	stileid.u32  }
0xb3: {  	s1 =	rddreg [dreg:$0x1];
	p0 =	sne.s32 s2, $0x0  }
0xb4: {  	s3 =	rddreg [dreg:$0x2];
	[bflag:$0x3] =	sbarrier.arrive $0xFFFF;
	s2 =	simm.s32 @!p0 $0x1C05  }
0xb5: {  	[timem:s3], [sflag:s2] =	dma.local @!p0 [hbm:s0], s1  }
0xb6: {  	s0 =	simm.s32 @!p0 $0x5  }
0xb7: {  	_ =	swait.ge @!p0 [sflag:s0], s1  }
0xb8: {  	s1 =	ssub.s32 @!p0 $0x0, s1;
	[sflag:s0] =	ssyncset.done @!p0 $0x0  }
0xb9: {  	[sflag:s0] =	ssyncadd.s32 @!p0 s1  }
0xba: {  	[bflag:$0x3] =	sbarrier.arrive $0xFFFF  }
0xbb: {  	_ =	shalt  }

// kernel: kernel.8.cloned.1.call-start
scs
__scs_entry_jumppad:
0x0: {  	(pc) =	sbr.rel $0x88, $3  }
0x1: {  	(tag) =	ssettag $0x0;
	lr =	simm.s32 $0x1  }
0x2: {  	[smem:$0x3F9B] =	sst lr;
	_ =	strace $0xD0000000  }
0x3: {  	_ = 	snop  }
0x4: {  	_ = 	snop  }
0x5: {  	_ = 	snop  }
0x6: {  	_ = 	snop  }
0x7: {  	_ = 	snop  }
__scs_overlays_trampoline_lowered:
0x8: {  	[smem:$0x3FAA] =	sst s0  }
0x9: {  	[smem:$0x3FAB] =	sst s1  }
0xa: {  	[smem:$0x3FAC] =	sst s2  }
0xb: {  	[smem:$0x3FAD] =	sst s3  }
0xc: {  	[smem:$0x3FAE] =	sst s4  }
0xd: {  	[smem:$0x3FAF] =	sst s5  }
0xe: {  	[smem:$0x3FB0] =	sst s6  }
0xf: {  	[smem:$0x3FB1] =	sst s7  }
0x10: {  	[smem:$0x3FB2] =	sst s8  }
0x11: {  	[smem:$0x3FB3] =	sst s9;
	s0 =	simm.s32 @!p0 $0x0  }
0x12: {  	s1 =	sld [smem:$0x3F99];
	s0 =	simm.s32 @p0 $0x1  }
0x13: {  	[smem:$0x3FB4] =	sst s0;
	s0 =	simm.s32 @!p1 $0x0  }
0x14: {  	s2 =	sld [smem:$0x3F98];
	s0 =	simm.s32 @p1 $0x1  }
0x15: {  	[smem:$0x3FB5] =	sst s0;
	s0 =	simm.s32 @!p2 $0x0  }
0x16: {  	s3 =	sld [smem:$0x3FDB];
	s0 =	simm.s32 @p2 $0x1  }
0x17: {  	s4 =	simm.s32 $0x1BF5;
	[smem:$0x3FB7] =	sst s0  }
0x18: {  	s0 =	sld [smem:$0x3F9A];
	_ =	swait.ge [sflag:s4], $0x0  }
0x19: {  	s7 =	sld [smem:$0x3F9B]  }
0x1a: {  	s8 =	sadd.s32 $0xFFFFE003, lr  }
0x1b: {  	s9 =	sadd.s32 $0xFFFFFEF7, lr;
	s5 =	simm.s32 $0xFFFFFFFF;
	p2 =	slt.u32 s8, $0xFFFFF086  }
0x1c: {  	p1 =	slt.u32 s9, $0xF7A;
	s5 =	simm.s32 @!p2 $0x0  }
0x1d: {  	s5 =	simm.s32 @p1 $0x1;
	p0 =	seq.s32 s7, s2  }
0x1e: {  	s7 =	smul.u32 @!p0 $0xF7A, s2;
	p2 =	seq.s32 @!p0 s5, $0x0  }
0x1f: {  	s9 =	smul.u32 $0xF7A, s1;
	s8 =	simm.s32 @!p0 $0x1BF5;
	p2 =	por !p2, p0  }
0x20: {  	[sflag:s8] =	ssyncset.s32 @!p0 $0xFFFFF086;
	s6 =	sadd.s32 @!p0 s3, s7;
	s7 =	simm.s32 @!p0 $0x108  }
0x21: {  	s3 =	sadd.s32 s3, s9;
	s6 =	sadd.s32 @!p0 $0x88, s6;
	s7 =	simm.s32 @p2 $0x1082  }
0x22: {  	[simem:s7], [sflag:s8] =	dma.local @!p0 [hbm:s6], $0xF7A  }
0x23: {  	s9 =	sor.u32 $0xD0000000, s2;
	s6 =	simm.s32 $0x108;
	_ =	swait.ge @!p0 [sflag:s8], $0x0  }
0x24: {  	s3 =	sadd.s32 $0x88, s3;
	s6 =	simm.s32 @!p1 $0x1082;
	[sflag:s4] =	ssyncset.s32 $0xFFFFF086  }
0x25: {  	[simem:s6], [sflag:s4] =	dma.local [hbm:s3], $0xF7A  }
0x26: {  	[smem:$0x3F9B] =	sst s1;
	(tag) =	ssettag s2;
	_ =	strace s9  }
0x27: {  	s1 =	sld [smem:$0x3FAB]  }
0x28: {  	s2 =	sld [smem:$0x3FAC]  }
0x29: {  	s4 =	sld [smem:$0x3FAE]  }
0x2a: {  	p0 =	seq.s32 s5, $0x0;
	s5 =	sld [smem:$0x3FAF]  }
0x2b: {  	s6 =	sld [smem:$0x3FB0]  }
0x2c: {  	s7 =	sld [smem:$0x3FB1]  }
0x2d: {  	s3 =	simm.s32 $0x108;
	s8 =	sld [smem:$0x3FB2]  }
0x2e: {  	s3 =	simm.s32 @!p0 $0x1082;
	s9 =	sld [smem:$0x3FB3]  }
0x2f: {  	lr =	sadd.s32 s0, s3;
	s0 =	sld [smem:$0x3FAA]  }
0x30: {  	s3 =	sld [smem:$0x3FAD]  }
0x31: {  	[smem:$0x3FB6] =	sst s10  }
0x32: {  	s10 =	sld [smem:$0x3FB4];
	_ =	sdelay $0x3  }
0x33: {  	p0 =	seq.s32 s10, $0x1;
	s10 =	sld [smem:$0x3FB6];
	_ =	sdelay $0x3  }
0x34: {  	[smem:$0x3FB6] =	sst s10  }
0x35: {  	s10 =	sld [smem:$0x3FB5];
	_ =	sdelay $0x3  }
0x36: {  	p1 =	seq.s32 s10, $0x1;
	s10 =	sld [smem:$0x3FB6];
	_ =	sdelay $0x3  }
0x37: {  	[smem:$0x3FB6] =	sst s10  }
0x38: {  	s10 =	sld [smem:$0x3FB7]  }
0x39: {  	_ = 	snop;
	(pc) =	sbr.ind lr, $3  }
0x3a: {  	_ = 	snop  }
0x3b: {  	_ = 	snop  }
0x3c: {  	p2 =	seq.s32 s10, $0x1;
	s10 =	sld [smem:$0x3FB6]  }
0x3d: {  	_ =	shalt  }
0x3e: {  	_ =	shalt  }
0x3f: {  	_ =	shalt  }
0x40: {  	_ =	shalt  }
0x41: {  	_ =	shalt  }
0x42: {  	_ =	shalt  }
0x43: {  	_ =	shalt  }
0x44: {  	_ =	shalt  }
0x45: {  	_ =	shalt  }
0x46: {  	_ =	shalt  }
0x47: {  	_ =	shalt  }
0x48: {  	_ =	shalt  }
0x49: {  	_ =	shalt  }
0x4a: {  	_ =	shalt  }
0x4b: {  	_ =	shalt  }
0x4c: {  	_ =	shalt  }
0x4d: {  	_ =	shalt  }
0x4e: {  	_ =	shalt  }
0x4f: {  	_ =	shalt  }
0x50: {  	_ =	shalt  }
0x51: {  	_ =	shalt  }
0x52: {  	_ =	shalt  }
0x53: {  	_ =	shalt  }
0x54: {  	_ =	shalt  }
0x55: {  	_ =	shalt  }
0x56: {  	_ =	shalt  }
0x57: {  	_ =	shalt  }
0x58: {  	_ =	shalt  }
0x59: {  	_ =	shalt  }
0x5a: {  	_ =	shalt  }
0x5b: {  	_ =	shalt  }
0x5c: {  	_ =	shalt  }
0x5d: {  	_ =	shalt  }
0x5e: {  	_ =	shalt  }
0x5f: {  	_ =	shalt  }
0x60: {  	_ =	shalt  }
0x61: {  	_ =	shalt  }
0x62: {  	_ =	shalt  }
0x63: {  	_ =	shalt  }
0x64: {  	_ =	shalt  }
0x65: {  	_ =	shalt  }
0x66: {  	_ =	shalt  }
0x67: {  	_ =	shalt  }
0x68: {  	_ =	shalt  }
0x69: {  	_ =	shalt  }
0x6a: {  	_ =	shalt  }
0x6b: {  	_ =	shalt  }
0x6c: {  	_ =	shalt  }
0x6d: {  	_ =	shalt  }
0x6e: {  	_ =	shalt  }
0x6f: {  	_ =	shalt  }
0x70: {  	_ =	shalt  }
0x71: {  	_ =	shalt  }
0x72: {  	_ =	shalt  }
0x73: {  	_ =	shalt  }
0x74: {  	_ =	shalt  }
0x75: {  	_ =	shalt  }
0x76: {  	_ =	shalt  }
0x77: {  	_ =	shalt  }
0x78: {  	_ =	shalt  }
0x79: {  	_ =	shalt  }
0x7a: {  	_ =	shalt  }
0x7b: {  	_ =	shalt  }
0x7c: {  	_ =	shalt  }
0x7d: {  	_ =	shalt  }
0x7e: {  	_ =	shalt  }
0x7f: {  	_ =	shalt  }
0x80: {  	_ =	shalt  }
0x81: {  	_ =	shalt  }
0x82: {  	_ =	shalt  }
0x83: {  	_ =	shalt  }
0x84: {  	_ =	shalt  }
0x85: {  	_ =	shalt  }
0x86: {  	_ =	shalt  }
0x87: {  	_ =	shalt  }
.Lfunc_end0:
.L_simem_size_0:
called_computation_lowered:
.L_overlay_start_0:
0x88: {  	s2 =	sld [smem:$0x3FD9]  }
0x89: {  	s3 =	sld [smem:$0x3FFE];
	_ =	sdelay $0x1  }
0x8a: {  	s1 =	srdreg.scid  }
0x8b: {  	s0 =	sand.u32 $0x1, s1  }
0x8c: {  	s17 =	sshll.u32 s0, $0xA;
	s2 =	sadd.s32 s3, s2  }
0x8d: {  	s2 =	sadd.s32 s2, s17  }
0x8e: {  	[smem:$0x3FC2] =	sst s2  }
0x8f: {  	_ = 	snop  }
0x90: {  	s2 =	sld [smem:$0x3FD0];
	(tm) =	ssettm $0x1  }
0x91: {  	s18 =	sld [smem:$0x3FFB];
	_ =	sdelay $0x3  }
0x92: {  	_ =	strace s18  }
0x93: {  	s3 =	sld [smem:$0x3FFC];
	_ =	sdelay $0x3  }
0x94: {  	_ =	strace s3  }
0x95: {  	s3 =	sld [smem:$0x3FFD];
	_ =	sdelay $0x3  }
0x96: {  	_ =	strace s3  }
0x97: {  	_ =	strace $0x8FFFFFFF  }
0x98: {  	s19 =	sld [smem:$0x3FDB];
	_ =	sdelay $0x1  }
0x99: {  	s4 =	simm.s32 $_scs_section_size  }
0x9a: {  	s5 =	simm.s32 $_size__tile_overlayer_lowered;
	s6 =	simm.s32 $_tile_overlayer_lowered  }
0x9b: {  	s22 =	simm.s32 $0x1BFF;
	s21 =	sshll.u32 s6, $0x1;
	s3 =	sadd.s32 s4, s19  }
0x9c: {  	s7 =	simm.s32 $0x0;
	s20 =	sshll.u32 s5, $0x1;
	s5 =	sadd.s32 s21, s3  }
0x9d: {  	[timem:s7], [sflag:s22] =	dma.local [hbm:s5], s20  }
0x9e: {  	_ =	swait.ge [sflag:s22], s20  }
0x9f: {  	s4 =	ssub.s32 $0x0, s20;
	[sflag:s22] =	ssyncset.done $0x0  }
0xa0: {  	[sflag:s22] =	ssyncadd.s32 s4;
	_ =	sdelay $0x1  }
0xa1: {  	s23 =	simm.s32 $0x1B8B  }
0xa2: {  	_ =	swait.ge [sflag:s23], $0x1  }
0xa3: {  	[sflag:s23] =	ssyncset.done $0x0  }
0xa4: {  	s25 =	simm.s32 $0x1B8E;
	s24 =	sld [smem:$0x3FFE];
	[sflag:s23] =	ssyncadd.s32 $0xFFFFFFFF  }
0xa5: {  	s26 =	simm.s32 $execute0_lowered;
	[smem:$0x3FD2] =	sst s25  }
0xa6: {  	s5 =	sshll.u32 s26, $0x1;
	_ =	strace $0x80000046;
	[dreg:$0x1] =	wrdreg $0xFFFFFFFF  }
0xa7: {  	s28 =	simm.s32 $_size_execute0_lowered;
	s3 =	sadd.s32 s3, s5;
	[dreg:$0x0] =	wrdreg $0x0  }
0xa8: {  	s5 =	sshll.u32 s28, $0x1;
	[dreg:$0x2] =	wrdreg s3  }
0xa9: {  	[dreg:$0x3] =	wrdreg s5  }
0xaa: {  	[dreg:$0x4] =	wrdreg $0xC0  }
0xab: {  	_ =	task [dreg:s7], $0x5FFFF  }
0xac: {  	[dreg:$0x1] =	wrdreg $0xFFFFFFFF  }
0xad: {  	[dreg:$0x0] =	wrdreg $0x60  }
0xae: {  	[dreg:$0x2] =	wrdreg s2  }
0xaf: {  	[dreg:$0x3] =	wrdreg s24  }
0xb0: {  	[dreg:$0x4] =	wrdreg $0x9  }
0xb1: {  	_ =	task.clear_ibuf [dreg:s7], $0x5FFFF;
	_ =	strace $0x90000046  }
0xb2: {  	s29 =	simm.s32 $0x9;
	_ =	strace $0x80000048  }
0xb3: {  	_ =	swait.ge [sflag:s29], $0x1  }
0xb4: {  	[sflag:s29] =	ssyncadd.s32 $0xFFFFFFFF  }
0xb5: {  	_ =	strace $0x90000048  }
0xb6: {  	_ =	sfence  }
0xb7: {  	s30 =	sld [smem:$0x0];
	_ =	sdelay $0x2  }
0xb8: {  	s31 =	sshll.u32 s1, $0xD;
	s1 =	sshrl.u32 s1, $0x2  }
0xb9: {  	s3 =	sand.u32 $0x4000, s31;
	s1 =	sadd.s32 s1, s30  }
0xba: {  	s0 =	sor.u32 s3, s0;
	s1 =	sshll.u32 s1, $0x11  }
0xbb: {  	s0 =	sor.u32 s1, s0  }
0xbc: {  	s0 =	sadd.s32 $0x8F2B, s0  }
0xbd: {  	[sflag:s0] =	ssyncadd.remote.s32 $0x1  }
0xbe: {  	_ =	sfence.sel $0xFFFF  }
0xbf: {  	[dreg:$0x0] =	wrdreg $0xFFFFFFFF;
	(pc) =	sbr.abs _section_cstart, $3  }
0xc0: {  	[dreg:$0x1] =	wrdreg $0xFFFFFFFF  }
0xc1: {  	_ =	task.clear_ibuf [dreg:s7], $0x2FFFF;
	_ =	strace $0x9FFFFFFF  }
0xc2: {  	(tm) =	ssettm $0x7FFFFFFF  }
0xc3: {  	_ =	shalt  }
tec
execute0_lowered:
.L_overlay_start_1:
0x0: {  	(tag) =	ssettag $0x1  }
0x1: {  	s6 =	rddreg [dreg:$0x0]  }
0x2: {  	s7 =	rddreg [dreg:$0x1]  }
0x3: {  	s0 =	rddreg [dreg:$0x2]  }
0x4: {  	s2 =	simm.s32 $0x0;
	s3 =	srdreg.scid;
	s1 =	stileid.u32  }
0x5: {  	s11 =	simm.s32 $0x100;
	s12 =	simm.s32 $0x900;
	s13 =	simm.s32 $0x1100  }
0x6: {  	s14 =	simm.s32 $0x1900;
	s15 =	simm.s32 $0x2100;
	s16 =	simm.s32 $0x2900  }
0x7: {  	s17 =	simm.s32 $0x3100;
	s18 =	simm.s32 $0x3900;
	s19 =	simm.s32 $0x4100  }
0x8: {  	s20 =	simm.s32 $0x4900;
	s21 =	simm.s32 $0x5100;
	s22 =	simm.s32 $0x5900  }
0x9: {  	s23 =	simm.s32 $0x6100;
	s24 =	simm.s32 $0x6900;
	s25 =	simm.s32 $0x7100  }
0xa: {  	s26 =	simm.s32 $0x7900;
	s28 =	simm.s32 $0x1;
	s29 =	simm.s32 $0x2  }
0xb: {  	[smem:$0x7FF] =	sst s2;
	s3 =	sand.u32 $0x1, s3;
	s4 =	sshll.u32 s1, $0x1  }
0xc: {  	_ =	strace $0x80000047;
	s5 =	ssub.s32 $0x2, s3;
	s8 =	sor.u32 s3, s4  }
0xd: {  	s3 =	sadd.s32 $0x400, s7;
	s31 =	sshrl.u32 s5, $0x1;
	s9 =	sshll.u32 s8, $0x4  }
0xe: {  	v2 =	vlaneseq.u32;
	s8 =	sshll.u32 s8, $0xC;
	s10 =	ssub.s32 s5, s31;
	s4 =	sadd.s32 s7, s9  }
0xf: {  	vm0 =	vmmov $0xffff;
	v1 =	vshrl.u32 v2, $0x3;
	s6 =	sadd.s32 s6, s8;
	s7 =	sadd.s32 $0x500, s7;
	s9 =	simm.s32 $0x3  }
0x10: {  	v0 =	vand.u32 $0x7, v2;
	v2 =	vor.u32 $0x8, v2;
	v1 =	vmul.u32 $0x8, v1;
	s5 =	sadd.s32 $0x200, s4;
	s8 =	smax.u32 s10, $0x1;
	s10 =	simm.s32 $0x80  }
.LBB2_1:
0x11: {  	[tilespmem:s2], [sflag:$0x3] =	stream.linear.gather [hbm4b:s5+s2], $0x80, $0x38;
	[tilespmem:$0x8100] =	vst v63  }
0x12: {  	_ =	swait.ge [sflag:s9], $0x80  }
0x13: {  	[sflag:s9] =	ssyncset.done $0x0  }
0x14: {  	[sflag:s9] =	ssyncadd.s32 $0xFFFFFF80  }
0x15: {  	[tilespmem:s10], [sflag:$0x3] =	stream.linear.gather [hbm4b:s4+s2], $0x80, $0x38;
	[tilespmem:$0x8100] =	vst v63  }
0x16: {  	_ =	swait.ge [sflag:s9], $0x80  }
0x17: {  	[sflag:s9] =	ssyncset.done $0x0  }
0x18: {  	[sflag:s9] =	ssyncadd.s32 $0xFFFFFF80  }
0x19: {  	[tilespmem:s11], [sflag:$0x3] =	stream.linear.gather [hbm4b:s6+s2], $0x8000, $0x38;
	[tilespmem:$0x8100] =	vst v63  }
0x1a: {  	_ =	swait.ge [sflag:s9], $0x8000  }
0x1b: {  	[sflag:s9] =	ssyncset.done $0x0  }
0x1c: {  	[sflag:s9] =	ssyncadd.s32 $0xFFFF8000  }
0x1d: {  	v3 =	vld [tilespmem:$0x0];
	_ =	sdelay $0x4  }
0x1e: {  	v4 =	vshll.u32 v3, $0x2  }
0x1f: {  	v3 =	vand.u32 $0x7, v3;
	v4 =	vand.u32 $0xFFFFFFE0, v4  }
0x20: {  	v3 =	vor.u32 v3, v4  }
0x21: {  	v4 =	vperm.xlane v3, v0;
	_ =	sdelay $0x1  }
0x22: {  	v4 =	vadd.s32 v1, v4;
	_ =	sdelay $0x1  }
0x23: {  	v3 =	vperm.xlane v3, v2;
	_ =	sdelay $0x1  }
0x24: {  	v3 =	vadd.s32 v1, v3  }
0x25: {  	[hbm4b:s3+s2] =	stream.indirect_vreg.scatter [tilespmem:s11], [sflag:$0x1], $0x80, v4, vm0, $0xb8;
	[tilespmem:$0x8100] =	vst v63  }
0x26: {  	_ = 	snop  }
0x27: {  	[hbm4b:s7+s2] =	stream.indirect_vreg.scatter [tilespmem:s12], [sflag:$0x1], $0x80, v4, vm0, $0xb8;
	[tilespmem:$0x8100] =	vst v63  }
0x28: {  	_ = 	snop  }
0x29: {  	[hbm4b:s3+s2] =	stream.indirect_vreg.scatter [tilespmem:s13], [sflag:$0x1], $0x80, v3, vm0, $0xb8;
	[tilespmem:$0x8100] =	vst v63  }
0x2a: {  	_ = 	snop  }
0x2b: {  	[hbm4b:s7+s2] =	stream.indirect_vreg.scatter [tilespmem:s14], [sflag:$0x1], $0x80, v3, vm0, $0xb8;
	[tilespmem:$0x8100] =	vst v63  }
0x2c: {  	v3 =	vld [tilespmem:$0x10];
	_ =	sdelay $0x4  }
0x2d: {  	v57 =	vshll.u32 v3, $0x2  }
0x2e: {  	v3 =	vand.u32 $0x7, v3;
	v4 =	vand.u32 $0xFFFFFFE0, v57  }
0x2f: {  	v3 =	vor.u32 v3, v4  }
0x30: {  	v4 =	vperm.xlane v3, v0;
	_ =	sdelay $0x1  }
0x31: {  	v4 =	vadd.s32 v1, v4;
	_ =	sdelay $0x1  }
0x32: {  	v3 =	vperm.xlane v3, v2;
	_ =	sdelay $0x1  }
0x33: {  	v3 =	vadd.s32 v1, v3  }
0x34: {  	[hbm4b:s3+s2] =	stream.indirect_vreg.scatter [tilespmem:s15], [sflag:$0x1], $0x80, v4, vm0, $0xb8;
	[tilespmem:$0x8100] =	vst v63  }
0x35: {  	_ = 	snop  }
0x36: {  	[hbm4b:s7+s2] =	stream.indirect_vreg.scatter [tilespmem:s16], [sflag:$0x1], $0x80, v4, vm0, $0xb8;
	[tilespmem:$0x8100] =	vst v63  }
0x37: {  	_ = 	snop  }
0x38: {  	[hbm4b:s3+s2] =	stream.indirect_vreg.scatter [tilespmem:s17], [sflag:$0x1], $0x80, v3, vm0, $0xb8;
	[tilespmem:$0x8100] =	vst v63  }
0x39: {  	_ = 	snop  }
0x3a: {  	[hbm4b:s7+s2] =	stream.indirect_vreg.scatter [tilespmem:s18], [sflag:$0x1], $0x80, v3, vm0, $0xb8;
	[tilespmem:$0x8100] =	vst v63  }
0x3b: {  	v3 =	vld [tilespmem:$0x20];
	_ =	sdelay $0x4  }
0x3c: {  	v58 =	vshll.u32 v3, $0x2  }
0x3d: {  	v3 =	vand.u32 $0x7, v3;
	v4 =	vand.u32 $0xFFFFFFE0, v58  }
0x3e: {  	v3 =	vor.u32 v3, v4  }
0x3f: {  	v4 =	vperm.xlane v3, v0;
	_ =	sdelay $0x1  }
0x40: {  	v4 =	vadd.s32 v1, v4;
	_ =	sdelay $0x1  }
0x41: {  	v3 =	vperm.xlane v3, v2;
	_ =	sdelay $0x1  }
0x42: {  	v3 =	vadd.s32 v1, v3  }
0x43: {  	[hbm4b:s3+s2] =	stream.indirect_vreg.scatter [tilespmem:s19], [sflag:$0x1], $0x80, v4, vm0, $0xb8;
	[tilespmem:$0x8100] =	vst v63  }
0x44: {  	_ = 	snop  }
0x45: {  	[hbm4b:s7+s2] =	stream.indirect_vreg.scatter [tilespmem:s20], [sflag:$0x1], $0x80, v4, vm0, $0xb8;
	[tilespmem:$0x8100] =	vst v63  }
0x46: {  	_ = 	snop  }
0x47: {  	[hbm4b:s3+s2] =	stream.indirect_vreg.scatter [tilespmem:s21], [sflag:$0x1], $0x80, v3, vm0, $0xb8;
	[tilespmem:$0x8100] =	vst v63  }
0x48: {  	_ = 	snop  }
0x49: {  	[hbm4b:s7+s2] =	stream.indirect_vreg.scatter [tilespmem:s22], [sflag:$0x1], $0x80, v3, vm0, $0xb8;
	[tilespmem:$0x8100] =	vst v63  }
0x4a: {  	v3 =	vld [tilespmem:$0x30];
	_ =	sdelay $0x4  }
0x4b: {  	v59 =	vshll.u32 v3, $0x2  }
0x4c: {  	v3 =	vand.u32 $0x7, v3;
	v4 =	vand.u32 $0xFFFFFFE0, v59  }
0x4d: {  	v3 =	vor.u32 v3, v4  }
0x4e: {  	v4 =	vperm.xlane v3, v0;
	_ =	sdelay $0x1  }
0x4f: {  	v4 =	vadd.s32 v1, v4;
	_ =	sdelay $0x1  }
0x50: {  	v3 =	vperm.xlane v3, v2;
	_ =	sdelay $0x1  }
0x51: {  	v3 =	vadd.s32 v1, v3  }
0x52: {  	[hbm4b:s3+s2] =	stream.indirect_vreg.scatter [tilespmem:s23], [sflag:$0x1], $0x80, v4, vm0, $0xb8;
	[tilespmem:$0x8100] =	vst v63  }
0x53: {  	_ = 	snop  }
0x54: {  	[hbm4b:s7+s2] =	stream.indirect_vreg.scatter [tilespmem:s24], [sflag:$0x1], $0x80, v4, vm0, $0xb8;
	[tilespmem:$0x8100] =	vst v63  }
0x55: {  	_ = 	snop  }
0x56: {  	[hbm4b:s3+s2] =	stream.indirect_vreg.scatter [tilespmem:s25], [sflag:$0x1], $0x80, v3, vm0, $0xb8;
	[tilespmem:$0x8100] =	vst v63  }
0x57: {  	_ = 	snop  }
0x58: {  	[hbm4b:s7+s2] =	stream.indirect_vreg.scatter [tilespmem:s26], [sflag:$0x1], $0x80, v3, vm0, $0xb8;
	[tilespmem:$0x8100] =	vst v63  }
0x59: {  	v3 =	vld [tilespmem:$0x80];
	_ =	sdelay $0x4  }
0x5a: {  	v60 =	vshll.u32 v3, $0x2  }
0x5b: {  	v3 =	vand.u32 $0x7, v3;
	v4 =	vand.u32 $0xFFFFFFE0, v60  }
0x5c: {  	v3 =	vor.u32 v3, v4  }
0x5d: {  	v4 =	vperm.xlane v3, v0;
	_ =	sdelay $0x1  }
0x5e: {  	v4 =	vadd.s32 v1, v4;
	_ =	sdelay $0x1  }
0x5f: {  	v3 =	vperm.xlane v3, v2;
	_ =	sdelay $0x1  }
0x60: {  	v3 =	vadd.s32 v1, v3  }
0x61: {  	[hbm4b:s3+s2] =	stream.indirect_vreg.scatter [tilespmem:s11], [sflag:$0x2], $0x80, v4, vm0, $0xb8;
	[tilespmem:$0x8100] =	vst v63  }
0x62: {  	_ = 	snop  }
0x63: {  	[hbm4b:s7+s2] =	stream.indirect_vreg.scatter [tilespmem:s12], [sflag:$0x2], $0x80, v4, vm0, $0xb8;
	[tilespmem:$0x8100] =	vst v63  }
0x64: {  	_ = 	snop  }
0x65: {  	[hbm4b:s3+s2] =	stream.indirect_vreg.scatter [tilespmem:s13], [sflag:$0x2], $0x80, v3, vm0, $0xb8;
	[tilespmem:$0x8100] =	vst v63  }
0x66: {  	_ = 	snop  }
0x67: {  	[hbm4b:s7+s2] =	stream.indirect_vreg.scatter [tilespmem:s14], [sflag:$0x2], $0x80, v3, vm0, $0xb8;
	[tilespmem:$0x8100] =	vst v63  }
0x68: {  	v3 =	vld [tilespmem:$0x90];
	_ =	sdelay $0x4  }
0x69: {  	v61 =	vshll.u32 v3, $0x2  }
0x6a: {  	v3 =	vand.u32 $0x7, v3;
	v4 =	vand.u32 $0xFFFFFFE0, v61  }
0x6b: {  	v3 =	vor.u32 v3, v4  }
0x6c: {  	v4 =	vperm.xlane v3, v0;
	_ =	sdelay $0x1  }
0x6d: {  	v4 =	vadd.s32 v1, v4;
	_ =	sdelay $0x1  }
0x6e: {  	v3 =	vperm.xlane v3, v2;
	_ =	sdelay $0x1  }
0x6f: {  	v3 =	vadd.s32 v1, v3  }
0x70: {  	[hbm4b:s3+s2] =	stream.indirect_vreg.scatter [tilespmem:s15], [sflag:$0x2], $0x80, v4, vm0, $0xb8;
	[tilespmem:$0x8100] =	vst v63  }
0x71: {  	_ = 	snop  }
0x72: {  	[hbm4b:s7+s2] =	stream.indirect_vreg.scatter [tilespmem:s16], [sflag:$0x2], $0x80, v4, vm0, $0xb8;
	[tilespmem:$0x8100] =	vst v63  }
0x73: {  	_ = 	snop  }
0x74: {  	[hbm4b:s3+s2] =	stream.indirect_vreg.scatter [tilespmem:s17], [sflag:$0x2], $0x80, v3, vm0, $0xb8;
	[tilespmem:$0x8100] =	vst v63  }
0x75: {  	_ = 	snop  }
0x76: {  	[hbm4b:s7+s2] =	stream.indirect_vreg.scatter [tilespmem:s18], [sflag:$0x2], $0x80, v3, vm0, $0xb8;
	[tilespmem:$0x8100] =	vst v63  }
0x77: {  	v3 =	vld [tilespmem:$0xA0];
	_ =	sdelay $0x4  }
0x78: {  	v62 =	vshll.u32 v3, $0x2  }
0x79: {  	v3 =	vand.u32 $0x7, v3;
	v4 =	vand.u32 $0xFFFFFFE0, v62  }
0x7a: {  	v3 =	vor.u32 v3, v4  }
0x7b: {  	v4 =	vperm.xlane v3, v0;
	_ =	sdelay $0x1  }
0x7c: {  	v4 =	vadd.s32 v1, v4;
	_ =	sdelay $0x1  }
0x7d: {  	v3 =	vperm.xlane v3, v2;
	_ =	sdelay $0x1  }
0x7e: {  	v3 =	vadd.s32 v1, v3  }
0x7f: {  	[hbm4b:s3+s2] =	stream.indirect_vreg.scatter [tilespmem:s19], [sflag:$0x2], $0x80, v4, vm0, $0xb8;
	[tilespmem:$0x8100] =	vst v63  }
0x80: {  	_ = 	snop  }
0x81: {  	[hbm4b:s7+s2] =	stream.indirect_vreg.scatter [tilespmem:s20], [sflag:$0x2], $0x80, v4, vm0, $0xb8;
	[tilespmem:$0x8100] =	vst v63  }
0x82: {  	_ = 	snop  }
0x83: {  	[hbm4b:s3+s2] =	stream.indirect_vreg.scatter [tilespmem:s21], [sflag:$0x2], $0x80, v3, vm0, $0xb8;
	[tilespmem:$0x8100] =	vst v63  }
0x84: {  	_ = 	snop  }
0x85: {  	[hbm4b:s7+s2] =	stream.indirect_vreg.scatter [tilespmem:s22], [sflag:$0x2], $0x80, v3, vm0, $0xb8;
	[tilespmem:$0x8100] =	vst v63  }
0x86: {  	v3 =	vld [tilespmem:$0xB0];
	_ =	sdelay $0x4  }
0x87: {  	v63 =	vshll.u32 v3, $0x2  }
0x88: {  	v3 =	vand.u32 $0x7, v3;
	v4 =	vand.u32 $0xFFFFFFE0, v63  }
0x89: {  	v3 =	vor.u32 v3, v4  }
0x8a: {  	v4 =	vperm.xlane v3, v0;
	_ =	sdelay $0x1  }
0x8b: {  	v4 =	vadd.s32 v1, v4;
	_ =	sdelay $0x1  }
0x8c: {  	v3 =	vperm.xlane v3, v2;
	_ =	sdelay $0x1  }
0x8d: {  	v3 =	vadd.s32 v1, v3  }
0x8e: {  	[hbm4b:s3+s2] =	stream.indirect_vreg.scatter [tilespmem:s23], [sflag:$0x2], $0x80, v4, vm0, $0xb8;
	[tilespmem:$0x8100] =	vst v63  }
0x8f: {  	_ = 	snop  }
0x90: {  	[hbm4b:s7+s2] =	stream.indirect_vreg.scatter [tilespmem:s24], [sflag:$0x2], $0x80, v4, vm0, $0xb8;
	[tilespmem:$0x8100] =	vst v63  }
0x91: {  	_ = 	snop  }
0x92: {  	[hbm4b:s3+s2] =	stream.indirect_vreg.scatter [tilespmem:s25], [sflag:$0x2], $0x80, v3, vm0, $0xb8;
	[tilespmem:$0x8100] =	vst v63  }
0x93: {  	_ = 	snop  }
0x94: {  	[hbm4b:s7+s2] =	stream.indirect_vreg.scatter [tilespmem:s26], [sflag:$0x2], $0x80, v3, vm0, $0xb8;
	[tilespmem:$0x8100] =	vst v63  }
0x95: {  	p0 =	sne.s32 s8, $0x1;
	_ =	swait.ge [sflag:s28], $0x8000  }
.Ltmp0:
0x96: {  	[sflag:s28] =	ssyncset.done $0x0;
	(pc) =	sbr.rel @p0 .LBB2_1-.Ltmp0, $4  }
0x97: {  	[sflag:s28] =	ssyncadd.s32 $0xFFFF8000  }
0x98: {  	_ =	swait.ge [sflag:s29], $0x8000  }
0x99: {  	[sflag:s29] =	ssyncset.done $0x0  }
0x9a: {  	s8 =	sadd.s32 $0xFFFFFFFF, s8;
	[sflag:s29] =	ssyncadd.s32 $0xFFFF8000  }
0x9b: {  	_ =	sfence.sel $0x180000  }
0x9c: {  	[bflag:$0x0] =	sbarrier.arrive $0xFFFF  }
0x9d: {  	p0 =	sne.s32 s1, $0x0;
	_ =	strace $0x90000047  }
0x9e: {  	s0 =	sadd.s32 @!p0 $0x100000, s0;
	[bflag:$0x2] =	sbarrier.arrive $0xFFFF  }
0x9f: {  	[sflag:s0] =	ssyncadd.tile.s32 @!p0 $0x1;
	_ =	shalt  }
.Lfunc_end2:
_tile_overlayer_lowered:
.L_overlay_start_2:
0xa0: {  	(tag) =	ssettag $0x2  }
0xa1: {  	s0 =	rddreg [dreg:$0x0];
	s2 =	stileid.u32  }
0xa2: {  	s1 =	rddreg [dreg:$0x1];
	p0 =	sne.s32 s2, $0x0  }
0xa3: {  	s3 =	rddreg [dreg:$0x2];
	[bflag:$0x3] =	sbarrier.arrive $0xFFFF;
	s2 =	simm.s32 @!p0 $0x1C03  }
0xa4: {  	[timem:s3], [sflag:s2] =	dma.local @!p0 [hbm:s0], s1  }
0xa5: {  	s0 =	simm.s32 @!p0 $0x3  }
0xa6: {  	_ =	swait.ge @!p0 [sflag:s0], s1  }
0xa7: {  	s1 =	ssub.s32 @!p0 $0x0, s1;
	[sflag:s0] =	ssyncset.done @!p0 $0x0  }
0xa8: {  	[sflag:s0] =	ssyncadd.s32 @!p0 s1  }
0xa9: {  	[bflag:$0x3] =	sbarrier.arrive $0xFFFF  }
0xaa: {  	_ =	shalt  }

</sc_bundles>
